<compile_context>
chip_gen: v7x
topology: tpu7x:2x2x1
jax: 0.10.2.dev20260603
libtpu: 0.0.44.dev20260713+nightly
codegen_flags: <defaults>
</compile_context>

<pallas_src>
import functools
import math

import jax
import jax.numpy as jnp
from jax import lax
from jax.experimental import pallas as pl
from jax.experimental.pallas import tpu as pltpu
from jax.experimental.pallas import tpu_sc as plsc

_GROUP = 4
_BUDGET = 0.5

_NC = 2
_NS = 16
_L = 16
_G = 8
_PC = 3584


def _sc_pool(sal_ref, msk_ref, parts_ref, msums_ref,
             buf_ref, mask_buf, res_buf, msum_buf, sem_a, sem_b,
             *, n_b, n_ch, n_px):
    n_pc = n_px // _PC
    w_per_b = (_NC * _NS) // n_b
    cpw = n_ch // w_per_b
    n_g = cpw // _G
    n_t = n_g * n_pc

    wid = lax.axis_index("s") * _NC + lax.axis_index("c")
    bi = wid // w_per_b
    cbase = (wid % w_per_b) * cpw

    pltpu.sync_copy(msk_ref.at[bi], mask_buf)

    def sal_copy(t, slot):
        g = t // n_pc
        pc = t - g * n_pc
        return pltpu.make_async_copy(
            sal_ref.at[bi, pl.ds(cbase + g * _G, _G), pl.ds(pc * _PC, _PC)],
            buf_ref.at[slot],
            sem_a if slot == 0 else sem_b)

    def zero_res(c, carry):
        res_buf[c] = jnp.zeros((_L,), jnp.float32)
        return carry
    lax.fori_loop(0, cpw, zero_res, 0)

    def tile_compute(t, slot):
        g = t // n_pc
        pc = t - g * n_pc
        moff = pc * _PC

        def body(i, accs):
            m = mask_buf[pl.ds(moff + i * _L, _L)]
            return tuple(
                accs[k] + buf_ref[slot, k, pl.ds(i * _L, _L)] * m
                for k in range(_G))

        accs = lax.fori_loop(
            0, _PC // _L, body,
            tuple(jnp.zeros((_L,), jnp.float32) for _ in range(_G)))
        c0 = g * _G
        for k in range(_G):
            res_buf[c0 + k] = res_buf[c0 + k] + accs[k]

    sal_copy(jnp.int32(0), 0).start()

    def pair(i, carry):
        t0 = 2 * i
        sal_copy(t0 + 1, 1).start()
        sal_copy(t0, 0).wait()
        tile_compute(t0, 0)

        @pl.when(t0 + 2 < n_t)
        def _():
            sal_copy(t0 + 2, 0).start()
        sal_copy(t0 + 1, 1).wait()
        tile_compute(t0 + 1, 1)
        return carry

    lax.fori_loop(0, n_t // 2, pair, 0)

    pltpu.sync_copy(res_buf, parts_ref.at[bi, pl.ds(cbase, cpw)])

    @pl.when(wid % w_per_b == 0)
    def _mask_total():
        def msum_body(i, acc):
            return acc + mask_buf[pl.ds(i * _L, _L)]
        msum = lax.fori_loop(0, n_px // _L, msum_body,
                             jnp.zeros((_L,), jnp.float32))
        msum_buf[...] = msum
        pltpu.sync_copy(msum_buf, msums_ref.at[bi])


def _tail_body(part_ref, msum_ref, wt_ref, b_ref, out_ref, lasso_ref,
               *, n_b, n_ch, n_px, k_drop):
    total = float(n_px)
    pooled = jnp.sum(part_ref[:], axis=2) / total
    active = jnp.sum(msum_ref[:], axis=1, keepdims=True) + 0.0001
    pooled = pooled * total / active
    z = jax.nn.sigmoid(
        jnp.dot(pooled, wt_ref[:], preferred_element_type=jnp.float32)
        + b_ref[:])
    lasso_ref[:] = jnp.full((1, 1), jnp.mean(jnp.sum(z, axis=-1)),
                            jnp.float32)

    zi = z[:, :, None]
    zj = z[:, None, :]
    ii = lax.broadcasted_iota(jnp.int32, (n_b, n_ch, n_ch), 1)
    jj = lax.broadcasted_iota(jnp.int32, (n_b, n_ch, n_ch), 2)
    below = jnp.logical_or(zj < zi,
                           jnp.logical_and(zj == zi, jj < ii))
    cnt = jnp.sum(below.astype(jnp.int32), axis=2)
    keep = jnp.logical_and(cnt >= k_drop, z > 0)

    n_out = n_ch * _GROUP
    row = lax.broadcasted_iota(jnp.int32, (n_ch, n_out), 0)
    col = lax.broadcasted_iota(jnp.int32, (n_ch, n_out), 1)
    expand = (row == col // _GROUP).astype(jnp.float32)
    out_ref[:] = jnp.dot(keep.astype(jnp.float32), expand,
                         preferred_element_type=jnp.float32
                         ).astype(jnp.int32)


def kernel(x, saliency_mask, mask_hard, W, b):
    B, C, H, Wd = saliency_mask.shape
    S = H * Wd
    F = W.shape[0]
    k_drop = math.ceil((1.0 - _BUDGET) * F)

    sal = saliency_mask.reshape(B, C, S)
    msk = mask_hard.reshape(B, S)

    mesh = plsc.VectorSubcoreMesh(core_axis_name="c", subcore_axis_name="s",
                                  num_cores=_NC, num_subcores=_NS)
    sc_pool = functools.partial(
        pl.kernel,
        out_type=[
            jax.ShapeDtypeStruct((B, C, _L), jnp.float32),
            jax.ShapeDtypeStruct((B, _L), jnp.float32),
        ],
        mesh=mesh,
        scratch_types=[
            pltpu.VMEM((2, _G, _PC), jnp.float32),
            pltpu.VMEM((S,), jnp.float32),
            pltpu.VMEM((C // ((_NC * _NS) // B), _L), jnp.float32),
            pltpu.VMEM((_L,), jnp.float32),
            pltpu.SemaphoreType.DMA,
            pltpu.SemaphoreType.DMA,
        ],
    )(functools.partial(_sc_pool, n_b=B, n_ch=C, n_px=S))

    parts, msums = sc_pool(sal, msk)

    expanded, lasso = pl.pallas_call(
        lambda *refs: _tail_body(*refs, n_b=B, n_ch=F, n_px=S,
                                 k_drop=k_drop),
        out_shape=[
            jax.ShapeDtypeStruct((B, F * _GROUP), jnp.int32),
            jax.ShapeDtypeStruct((1, 1), jnp.float32),
        ],
    )(parts, msums, W.T, b.reshape(1, F))

    return expanded, lasso.reshape(())

# --- scband reference (transcript-rebuilt; emitter-appended) ---
"""Pipeline reference for scband-channel-vector-unit-23579370455617 (READ-ONLY COPY).

The authoritative reference and input builder live on the scoring server;
editing this copy changes nothing except your own understanding.
"""

import jax, jax.numpy as jnp
import numpy as np
import math

IN_CH = 384
OUT_CH = 1536
GROUP = 4
BUDGET = 0.5


def setup_inputs(seed: int = 0) -> dict:
    key = jax.random.key(seed)
    k1, k2, k3, k4 = jax.random.split(key, 4)
    x = jax.random.normal(k1, (8, OUT_CH), dtype=jnp.float32)
    saliency_mask = jax.random.normal(k2, (8, IN_CH, 224, 224), dtype=jnp.float32)
    mask_hard = jax.random.uniform(k3, (8, 1, 224, 224), dtype=jnp.float32)
    fan_out = OUT_CH // GROUP
    W = jax.random.normal(k4, (fan_out, IN_CH), dtype=jnp.float32) * math.sqrt(2.0 / fan_out)
    b = jnp.ones((fan_out,), dtype=jnp.float32)
    return {"x": x, "saliency_mask": saliency_mask, "mask_hard": mask_hard, "W": W, "b": b}


def reference(x, saliency_mask, mask_hard, W, b):
    # MaskedAvePooling: adaptive avg pool to 1x1 of (saliency_mask * mask_hard),
    # rescaled by total_pixels / active_pixels
    B, C, H, Wd = saliency_mask.shape
    masked = saliency_mask * mask_hard  # mask broadcast over channels (expand_as)
    pooled = jnp.mean(masked, axis=(2, 3))  # [B, C], squeeze of [B, C, 1, 1]
    total_pixel_num = H * Wd
    active_pixel_num = jnp.sum(mask_hard.reshape(B, -1), axis=1)[:, None] + 0.0001
    pooled = pooled * total_pixel_num / active_pixel_num
    # channel saliency predictor (Linear) + sigmoid
    z = jax.nn.sigmoid(pooled @ W.T + b)  # [B, OUT_CH // GROUP]
    lasso = jnp.mean(jnp.sum(z, axis=-1))
    # winner_take_all: zero out the k smallest activations, binarize
    k = math.ceil((1.0 - BUDGET) * z.shape[-1])
    _, inactive_idx = jax.lax.top_k(-z, k)  # indices of k smallest values of z
    zero_filtered = z.at[jnp.arange(B)[:, None], inactive_idx].set(0.0)
    wta = (zero_filtered > 0).astype(jnp.int32)
    # expand: repeat each channel decision group_size times
    expanded = jnp.repeat(wta, GROUP, axis=1)  # [B, OUT_CH]
    return expanded, lasso

if __name__ == "__main__":
    import jax
    _d = setup_inputs()
    print(jax.jit(kernel)(*tuple(_d.values())))

</pallas_src>

<mosaic_0001>
#map = affine_map<(d0, d1) -> (0, 0, 0)>
#map1 = affine_map<(d0, d1) -> (0, 0)>
module attributes {stable_mosaic.version = 14 : i64} {
  func.func @_sc_pool(%arg0: i32, %arg1: i32, %arg2: memref<8x384x50176xf32, #tpu.memory_space<hbm>>, %arg3: memref<8x50176xf32, #tpu.memory_space<hbm>>, %arg4: memref<8x384x16xf32, #tpu.memory_space<hbm>>, %arg5: memref<8x16xf32, #tpu.memory_space<hbm>>, %arg6: memref<2x8x3584xf32, #tpu.memory_space<vmem>>, %arg7: memref<50176xf32, #tpu.memory_space<vmem>>, %arg8: memref<96x16xf32, #tpu.memory_space<vmem>>, %arg9: memref<16xf32, #tpu.memory_space<vmem>>, %arg10: memref<!tpu.dma_semaphore, #tpu.memory_space<semaphore_mem>>, %arg11: memref<!tpu.dma_semaphore, #tpu.memory_space<semaphore_mem>>) attributes {dimension_semantics = [#tpu.dimension_semantics<core_parallel>, #tpu.dimension_semantics<subcore_parallel>], iteration_bounds = array<i64: 2, 16>, scalar_prefetch = 0 : i64, scratch_operands = 6 : i64, tpu.core_type = #tpu.core_type<sc_vector_subcore>, window_params = [{transform_indices = #map}, {transform_indices = #map1}, {transform_indices = #map}, {transform_indices = #map1}]} {
    %mul3A = arith.constant 2 : i32
    %mul3A_0 = arith.muli %arg1, %mul3A : i32
    %add3A = arith.addi %mul3A_0, %arg0 : i32
    %jit3A = arith.constant 4 : i32
    %div3A = arith.divsi %add3A, %jit3A : i32
    %sign3A = arith.constant 0 : i32
    %sign3A_1 = arith.cmpi sgt, %add3A, %sign3A : i32
    %sign3A_2 = arith.extui %sign3A_1 : i1 to i32
    %sign3A_3 = arith.constant 0 : i32
    %sign3A_4 = arith.cmpi slt, %add3A, %sign3A_3 : i32
    %sign3A_5 = arith.extui %sign3A_4 : i1 to i32
    %sign3A_6 = arith.subi %sign3A_2, %sign3A_5 : i32
    %sign3A_7 = arith.constant 0 : i32
    %sign3A_8 = arith.cmpi sgt, %jit3A, %sign3A_7 : i32
    %sign3A_9 = arith.extui %sign3A_8 : i1 to i32
    %sign3A_10 = arith.constant 0 : i32
    %sign3A_11 = arith.cmpi slt, %jit3A, %sign3A_10 : i32
    %sign3A_12 = arith.extui %sign3A_11 : i1 to i32
    %sign3A_13 = arith.subi %sign3A_9, %sign3A_12 : i32
    %ne3A = arith.cmpi ne, %sign3A_6, %sign3A_13 : i32
    %rem3A = arith.remsi %add3A, %jit3A : i32
    %ne3A_14 = arith.constant 0 : i32
    %ne3A_15 = arith.cmpi ne, %rem3A, %ne3A_14 : i32
    %and3A = arith.andi %ne3A, %ne3A_15 : i1
    %sub3A = arith.constant 1 : i32
    %sub3A_16 = arith.subi %div3A, %sub3A : i32
    %select_n3A = arith.select %and3A, %sub3A_16, %div3A : i32
    %jit3A_17 = arith.constant 4 : i32
    %eq3A = arith.constant 0 : i32
    %eq3A_18 = arith.cmpi eq, %jit3A_17, %eq3A : i32
    %jit3A_19 = arith.constant 1 : i32
    %select_n3A_20 = arith.select %eq3A_18, %jit3A_19, %jit3A_17 : i32
    %rem3A_21 = arith.remsi %add3A, %select_n3A_20 : i32
    %ne3A_22 = arith.constant 0 : i32
    %ne3A_23 = arith.cmpi ne, %rem3A_21, %ne3A_22 : i32
    %lt3A = arith.constant 0 : i32
    %lt3A_24 = arith.cmpi slt, %rem3A_21, %lt3A : i32
    %lt3A_25 = arith.constant 0 : i32
    %lt3A_26 = arith.cmpi slt, %select_n3A_20, %lt3A_25 : i32
    %ne3A_27 = arith.xori %lt3A_24, %lt3A_26 : i1
    %and3A_28 = arith.andi %ne3A_27, %ne3A_23 : i1
    %add3A_29 = arith.addi %rem3A_21, %select_n3A_20 : i32
    %select_n3A_30 = arith.select %and3A_28, %add3A_29, %rem3A_21 : i32
    %mul3A_31 = arith.constant 96 : i32
    %mul3A_32 = arith.muli %select_n3A_30, %mul3A_31 : i32
    "tpu.region"() ({
      %run_scoped3A = tpu.sem_alloc : memref<!tpu.dma_semaphore, #tpu.memory_space<semaphore_mem>>
      %dma_start3A_109 = arith.constant 0 : i32
      %dma_start3A_110 = tpu.memref_slice %arg3[%select_n3A, %dma_start3A_109] : memref<8x50176xf32, #tpu.memory_space<hbm>> -> memref<1x50176xf32, #tpu.memory_space<hbm>>
      %dma_start3A_111 = tpu.memref_squeeze %dma_start3A_110 : memref<1x50176xf32, #tpu.memory_space<hbm>> -> memref<50176xf32, #tpu.memory_space<hbm>>
      %dma_start3A_112 = arith.constant 0 : i32
      %dma_start3A_113 = tpu.memref_slice %arg3[%select_n3A, %dma_start3A_112] : memref<8x50176xf32, #tpu.memory_space<hbm>> -> memref<1x50176xf32, #tpu.memory_space<hbm>>
      %dma_start3A_114 = tpu.memref_squeeze %dma_start3A_113 : memref<1x50176xf32, #tpu.memory_space<hbm>> -> memref<50176xf32, #tpu.memory_space<hbm>>
      tpu.enqueue_dma source(%dma_start3A_114 : memref<50176xf32, #tpu.memory_space<hbm>>) target(%arg7 : memref<50176xf32, #tpu.memory_space<vmem>>) target_semaphore(%run_scoped3A : memref<!tpu.dma_semaphore, #tpu.memory_space<semaphore_mem>>)
      %dma_wait3A = arith.constant 0 : i32
      %dma_wait3A_115 = tpu.memref_slice %arg3[%select_n3A, %dma_wait3A] : memref<8x50176xf32, #tpu.memory_space<hbm>> -> memref<1x50176xf32, #tpu.memory_space<hbm>>
      %dma_wait3A_116 = tpu.memref_squeeze %dma_wait3A_115 : memref<1x50176xf32, #tpu.memory_space<hbm>> -> memref<50176xf32, #tpu.memory_space<hbm>>
      %dma_wait3A_117 = arith.constant 0 : i32
      %dma_wait3A_118 = tpu.memref_slice %arg3[%select_n3A, %dma_wait3A_117] : memref<8x50176xf32, #tpu.memory_space<hbm>> -> memref<1x50176xf32, #tpu.memory_space<hbm>>
      %dma_wait3A_119 = tpu.memref_squeeze %dma_wait3A_118 : memref<1x50176xf32, #tpu.memory_space<hbm>> -> memref<50176xf32, #tpu.memory_space<hbm>>
      tpu.wait_dma2 semaphore(%run_scoped3A : memref<!tpu.dma_semaphore, #tpu.memory_space<semaphore_mem>>) src(%dma_wait3A_119 : memref<50176xf32, #tpu.memory_space<hbm>>) dst(%arg7 : memref<50176xf32, #tpu.memory_space<vmem>>)
      tpu.yield
    }) : () -> ()
    %scan3A = arith.constant 0 : i32
    %scan3A_33 = arith.constant 0 : i32
    %scan3A_34 = arith.constant 96 : i32
    %scan3A_35 = arith.addi %scan3A_33, %scan3A_34 : i32
    %scan3A_36 = arith.constant 1 : i32
    scf.for %scan3A_109 = %scan3A_33 to %scan3A_35 step %scan3A_36  : i32 {
      %broadcast_in_dim3A = arith.constant 0.000000e+00 : f32
      %broadcast_in_dim3A_110 = vector.broadcast %broadcast_in_dim3A : f32 to vector<16xf32>
      %swap3A = arith.index_cast %scan3A_109 : i32 to index
      %swap3A_111 = arith.constant 0 : index
      %swap3A_112 = tpu.vector_load %arg8[%swap3A, %swap3A_111] {strides = array<i32>} : memref<96x16xf32, #tpu.memory_space<vmem>>, vector<1x16xf32>,
      %swap3A_113 = vector.shape_cast %swap3A_112 : vector<1x16xf32> to vector<16xf32>
      %swap3A_114 = vector.shape_cast %broadcast_in_dim3A_110 : vector<16xf32> to vector<1x16xf32>
      tpu.vector_store %arg8[%swap3A, %swap3A_111], %swap3A_114 {strides = array<i32>} : memref<96x16xf32, #tpu.memory_space<vmem>>, vector<1x16xf32>,
    }
    %scan3A_37 = arith.constant 96 : i32
    %jit3A_38 = arith.constant 0 : i32
    %jit3A_39 = arith.constant 14 : i32
    %div3A_40 = arith.divsi %jit3A_38, %jit3A_39 : i32
    %sign3A_41 = arith.constant 0 : i32
    %sign3A_42 = arith.cmpi sgt, %jit3A_38, %sign3A_41 : i32
    %sign3A_43 = arith.extui %sign3A_42 : i1 to i32
    %sign3A_44 = arith.constant 0 : i32
    %sign3A_45 = arith.cmpi slt, %jit3A_38, %sign3A_44 : i32
    %sign3A_46 = arith.extui %sign3A_45 : i1 to i32
    %sign3A_47 = arith.subi %sign3A_43, %sign3A_46 : i32
    %sign3A_48 = arith.constant 0 : i32
    %sign3A_49 = arith.cmpi sgt, %jit3A_39, %sign3A_48 : i32
    %sign3A_50 = arith.extui %sign3A_49 : i1 to i32
    %sign3A_51 = arith.constant 0 : i32
    %sign3A_52 = arith.cmpi slt, %jit3A_39, %sign3A_51 : i32
    %sign3A_53 = arith.extui %sign3A_52 : i1 to i32
    %sign3A_54 = arith.subi %sign3A_50, %sign3A_53 : i32
    %ne3A_55 = arith.cmpi ne, %sign3A_47, %sign3A_54 : i32
    %rem3A_56 = arith.remsi %jit3A_38, %jit3A_39 : i32
    %ne3A_57 = arith.constant 0 : i32
    %ne3A_58 = arith.cmpi ne, %rem3A_56, %ne3A_57 : i32
    %and3A_59 = arith.andi %ne3A_55, %ne3A_58 : i1
    %sub3A_60 = arith.constant 1 : i32
    %sub3A_61 = arith.subi %div3A_40, %sub3A_60 : i32
    %select_n3A_62 = arith.select %and3A_59, %sub3A_61, %div3A_40 : i32
    %mul3A_63 = arith.constant 14 : i32
    %mul3A_64 = arith.muli %select_n3A_62, %mul3A_63 : i32
    %sub3A_65 = arith.constant 0 : i32
    %sub3A_66 = arith.subi %sub3A_65, %mul3A_64 : i32
    %mul3A_67 = arith.constant 8 : i32
    %mul3A_68 = arith.muli %select_n3A_62, %mul3A_67 : i32
    %add3A_69 = arith.addi %mul3A_32, %mul3A_68 : i32
    %mul3A_70 = arith.constant 3584 : i32
    %mul3A_71 = arith.muli %sub3A_66, %mul3A_70 : i32
    %dma_start3A = arith.constant 0 : i32
    %dma_start3A_72 = arith.constant 0 : i32
    %dma_start3A_73 = arith.constant 0 : i32
    %dma_start3A_74 = tpu.memref_slice %arg6[%dma_start3A, %dma_start3A_72, %dma_start3A_73] : memref<2x8x3584xf32, #tpu.memory_space<vmem>> -> memref<1x8x3584xf32, #tpu.memory_space<vmem>>
    %dma_start3A_75 = tpu.memref_squeeze %dma_start3A_74 : memref<1x8x3584xf32, #tpu.memory_space<vmem>> -> memref<8x3584xf32, #tpu.memory_space<vmem>>
    %dma_start3A_76 = tpu.memref_slice %arg2[%select_n3A, %add3A_69, %mul3A_71] : memref<8x384x50176xf32, #tpu.memory_space<hbm>> -> memref<1x8x3584xf32, #tpu.memory_space<hbm>>
    %dma_start3A_77 = tpu.memref_squeeze %dma_start3A_76 : memref<1x8x3584xf32, #tpu.memory_space<hbm>> -> memref<8x3584xf32, #tpu.memory_space<hbm>>
    %dma_start3A_78 = arith.constant 0 : i32
    %dma_start3A_79 = arith.constant 0 : i32
    %dma_start3A_80 = tpu.memref_slice %arg6[%dma_start3A, %dma_start3A_78, %dma_start3A_79] : memref<2x8x3584xf32, #tpu.memory_space<vmem>> -> memref<1x8x3584xf32, #tpu.memory_space<vmem>>
    %dma_start3A_81 = tpu.memref_squeeze %dma_start3A_80 : memref<1x8x3584xf32, #tpu.memory_space<vmem>> -> memref<8x3584xf32, #tpu.memory_space<vmem>>
    %dma_start3A_82 = tpu.memref_slice %arg2[%select_n3A, %add3A_69, %mul3A_71] : memref<8x384x50176xf32, #tpu.memory_space<hbm>> -> memref<1x8x3584xf32, #tpu.memory_space<hbm>>
    %dma_start3A_83 = tpu.memref_squeeze %dma_start3A_82 : memref<1x8x3584xf32, #tpu.memory_space<hbm>> -> memref<8x3584xf32, #tpu.memory_space<hbm>>
    tpu.enqueue_dma source(%dma_start3A_83 : memref<8x3584xf32, #tpu.memory_space<hbm>>) target(%dma_start3A_81 : memref<8x3584xf32, #tpu.memory_space<vmem>>) target_semaphore(%arg10 : memref<!tpu.dma_semaphore, #tpu.memory_space<semaphore_mem>>)
    %scan3A_84 = arith.constant 0 : i32
    %scan3A_85 = arith.constant 0 : i32
    %scan3A_86 = arith.constant 84 : i32
    %scan3A_87 = arith.addi %scan3A_85, %scan3A_86 : i32
    %scan3A_88 = arith.constant 1 : i32
    scf.for %scan3A_109 = %scan3A_85 to %scan3A_87 step %scan3A_88  : i32 {
      %mul3A_110 = arith.constant 2 : i32
      %mul3A_111 = arith.muli %mul3A_110, %scan3A_109 : i32
      %add3A_112 = arith.constant 1 : i32
      %add3A_113 = arith.addi %mul3A_111, %add3A_112 : i32
      %jit3A_114 = arith.constant 14 : i32
      %div3A_115 = arith.divsi %add3A_113, %jit3A_114 : i32
      %sign3A_116 = arith.constant 0 : i32
      %sign3A_117 = arith.cmpi sgt, %add3A_113, %sign3A_116 : i32
      %sign3A_118 = arith.extui %sign3A_117 : i1 to i32
      %sign3A_119 = arith.constant 0 : i32
      %sign3A_120 = arith.cmpi slt, %add3A_113, %sign3A_119 : i32
      %sign3A_121 = arith.extui %sign3A_120 : i1 to i32
      %sign3A_122 = arith.subi %sign3A_118, %sign3A_121 : i32
      %sign3A_123 = arith.constant 0 : i32
      %sign3A_124 = arith.cmpi sgt, %jit3A_114, %sign3A_123 : i32
      %sign3A_125 = arith.extui %sign3A_124 : i1 to i32
      %sign3A_126 = arith.constant 0 : i32
      %sign3A_127 = arith.cmpi slt, %jit3A_114, %sign3A_126 : i32
      %sign3A_128 = arith.extui %sign3A_127 : i1 to i32
      %sign3A_129 = arith.subi %sign3A_125, %sign3A_128 : i32
      %ne3A_130 = arith.cmpi ne, %sign3A_122, %sign3A_129 : i32
      %rem3A_131 = arith.remsi %add3A_113, %jit3A_114 : i32
      %ne3A_132 = arith.constant 0 : i32
      %ne3A_133 = arith.cmpi ne, %rem3A_131, %ne3A_132 : i32
      %and3A_134 = arith.andi %ne3A_130, %ne3A_133 : i1
      %sub3A_135 = arith.constant 1 : i32
      %sub3A_136 = arith.subi %div3A_115, %sub3A_135 : i32
      %select_n3A_137 = arith.select %and3A_134, %sub3A_136, %div3A_115 : i32
      %mul3A_138 = arith.constant 14 : i32
      %mul3A_139 = arith.muli %select_n3A_137, %mul3A_138 : i32
      %sub3A_140 = arith.subi %add3A_113, %mul3A_139 : i32
      %mul3A_141 = arith.constant 8 : i32
      %mul3A_142 = arith.muli %select_n3A_137, %mul3A_141 : i32
      %add3A_143 = arith.addi %mul3A_32, %mul3A_142 : i32
      %mul3A_144 = arith.constant 3584 : i32
      %mul3A_145 = arith.muli %sub3A_140, %mul3A_144 : i32
      %dma_start3A_146 = arith.constant 1 : i32
      %dma_start3A_147 = arith.constant 0 : i32
      %dma_start3A_148 = arith.constant 0 : i32
      %dma_start3A_149 = tpu.memref_slice %arg6[%dma_start3A_146, %dma_start3A_147, %dma_start3A_148] : memref<2x8x3584xf32, #tpu.memory_space<vmem>> -> memref<1x8x3584xf32, #tpu.memory_space<vmem>>
      %dma_start3A_150 = tpu.memref_squeeze %dma_start3A_149 : memref<1x8x3584xf32, #tpu.memory_space<vmem>> -> memref<8x3584xf32, #tpu.memory_space<vmem>>
      %dma_start3A_151 = tpu.memref_slice %arg2[%select_n3A, %add3A_143, %mul3A_145] : memref<8x384x50176xf32, #tpu.memory_space<hbm>> -> memref<1x8x3584xf32, #tpu.memory_space<hbm>>
      %dma_start3A_152 = tpu.memref_squeeze %dma_start3A_151 : memref<1x8x3584xf32, #tpu.memory_space<hbm>> -> memref<8x3584xf32, #tpu.memory_space<hbm>>
      %dma_start3A_153 = arith.constant 0 : i32
      %dma_start3A_154 = arith.constant 0 : i32
      %dma_start3A_155 = tpu.memref_slice %arg6[%dma_start3A_146, %dma_start3A_153, %dma_start3A_154] : memref<2x8x3584xf32, #tpu.memory_space<vmem>> -> memref<1x8x3584xf32, #tpu.memory_space<vmem>>
      %dma_start3A_156 = tpu.memref_squeeze %dma_start3A_155 : memref<1x8x3584xf32, #tpu.memory_space<vmem>> -> memref<8x3584xf32, #tpu.memory_space<vmem>>
      %dma_start3A_157 = tpu.memref_slice %arg2[%select_n3A, %add3A_143, %mul3A_145] : memref<8x384x50176xf32, #tpu.memory_space<hbm>> -> memref<1x8x3584xf32, #tpu.memory_space<hbm>>
      %dma_start3A_158 = tpu.memref_squeeze %dma_start3A_157 : memref<1x8x3584xf32, #tpu.memory_space<hbm>> -> memref<8x3584xf32, #tpu.memory_space<hbm>>
      tpu.enqueue_dma source(%dma_start3A_158 : memref<8x3584xf32, #tpu.memory_space<hbm>>) target(%dma_start3A_156 : memref<8x3584xf32, #tpu.memory_space<vmem>>) target_semaphore(%arg11 : memref<!tpu.dma_semaphore, #tpu.memory_space<semaphore_mem>>)
      %jit3A_159 = arith.constant 14 : i32
      %div3A_160 = arith.divsi %mul3A_111, %jit3A_159 : i32
      %sign3A_161 = arith.constant 0 : i32
      %sign3A_162 = arith.cmpi sgt, %mul3A_111, %sign3A_161 : i32
      %sign3A_163 = arith.extui %sign3A_162 : i1 to i32
      %sign3A_164 = arith.constant 0 : i32
      %sign3A_165 = arith.cmpi slt, %mul3A_111, %sign3A_164 : i32
      %sign3A_166 = arith.extui %sign3A_165 : i1 to i32
      %sign3A_167 = arith.subi %sign3A_163, %sign3A_166 : i32
      %sign3A_168 = arith.constant 0 : i32
      %sign3A_169 = arith.cmpi sgt, %jit3A_159, %sign3A_168 : i32
      %sign3A_170 = arith.extui %sign3A_169 : i1 to i32
      %sign3A_171 = arith.constant 0 : i32
      %sign3A_172 = arith.cmpi slt, %jit3A_159, %sign3A_171 : i32
      %sign3A_173 = arith.extui %sign3A_172 : i1 to i32
      %sign3A_174 = arith.subi %sign3A_170, %sign3A_173 : i32
      %ne3A_175 = arith.cmpi ne, %sign3A_167, %sign3A_174 : i32
      %rem3A_176 = arith.remsi %mul3A_111, %jit3A_159 : i32
      %ne3A_177 = arith.constant 0 : i32
      %ne3A_178 = arith.cmpi ne, %rem3A_176, %ne3A_177 : i32
      %and3A_179 = arith.andi %ne3A_175, %ne3A_178 : i1
      %sub3A_180 = arith.constant 1 : i32
      %sub3A_181 = arith.subi %div3A_160, %sub3A_180 : i32
      %select_n3A_182 = arith.select %and3A_179, %sub3A_181, %div3A_160 : i32
      %mul3A_183 = arith.constant 14 : i32
      %mul3A_184 = arith.muli %select_n3A_182, %mul3A_183 : i32
      %sub3A_185 = arith.subi %mul3A_111, %mul3A_184 : i32
      %mul3A_186 = arith.constant 8 : i32
      %mul3A_187 = arith.muli %select_n3A_182, %mul3A_186 : i32
      %add3A_188 = arith.addi %mul3A_32, %mul3A_187 : i32
      %mul3A_189 = arith.constant 3584 : i32
      %mul3A_190 = arith.muli %sub3A_185, %mul3A_189 : i32
      %dma_wait3A = arith.constant 0 : i32
      %dma_wait3A_191 = arith.constant 0 : i32
      %dma_wait3A_192 = arith.constant 0 : i32
      %dma_wait3A_193 = tpu.memref_slice %arg6[%dma_wait3A, %dma_wait3A_191, %dma_wait3A_192] : memref<2x8x3584xf32, #tpu.memory_space<vmem>> -> memref<1x8x3584xf32, #tpu.memory_space<vmem>>
      %dma_wait3A_194 = tpu.memref_squeeze %dma_wait3A_193 : memref<1x8x3584xf32, #tpu.memory_space<vmem>> -> memref<8x3584xf32, #tpu.memory_space<vmem>>
      %dma_wait3A_195 = tpu.memref_slice %arg2[%select_n3A, %add3A_188, %mul3A_190] : memref<8x384x50176xf32, #tpu.memory_space<hbm>> -> memref<1x8x3584xf32, #tpu.memory_space<hbm>>
      %dma_wait3A_196 = tpu.memref_squeeze %dma_wait3A_195 : memref<1x8x3584xf32, #tpu.memory_space<hbm>> -> memref<8x3584xf32, #tpu.memory_space<hbm>>
      %dma_wait3A_197 = arith.constant 0 : i32
      %dma_wait3A_198 = arith.constant 0 : i32
      %dma_wait3A_199 = tpu.memref_slice %arg6[%dma_wait3A, %dma_wait3A_197, %dma_wait3A_198] : memref<2x8x3584xf32, #tpu.memory_space<vmem>> -> memref<1x8x3584xf32, #tpu.memory_space<vmem>>
      %dma_wait3A_200 = tpu.memref_squeeze %dma_wait3A_199 : memref<1x8x3584xf32, #tpu.memory_space<vmem>> -> memref<8x3584xf32, #tpu.memory_space<vmem>>
      %dma_wait3A_201 = tpu.memref_slice %arg2[%select_n3A, %add3A_188, %mul3A_190] : memref<8x384x50176xf32, #tpu.memory_space<hbm>> -> memref<1x8x3584xf32, #tpu.memory_space<hbm>>
      %dma_wait3A_202 = tpu.memref_squeeze %dma_wait3A_201 : memref<1x8x3584xf32, #tpu.memory_space<hbm>> -> memref<8x3584xf32, #tpu.memory_space<hbm>>
      tpu.wait_dma2 semaphore(%arg10 : memref<!tpu.dma_semaphore, #tpu.memory_space<semaphore_mem>>) src(%dma_wait3A_202 : memref<8x3584xf32, #tpu.memory_space<hbm>>) dst(%dma_wait3A_200 : memref<8x3584xf32, #tpu.memory_space<vmem>>)
      %jit3A_203 = arith.constant 14 : i32
      %div3A_204 = arith.divsi %mul3A_111, %jit3A_203 : i32
      %sign3A_205 = arith.constant 0 : i32
      %sign3A_206 = arith.cmpi sgt, %mul3A_111, %sign3A_205 : i32
      %sign3A_207 = arith.extui %sign3A_206 : i1 to i32
      %sign3A_208 = arith.constant 0 : i32
      %sign3A_209 = arith.cmpi slt, %mul3A_111, %sign3A_208 : i32
      %sign3A_210 = arith.extui %sign3A_209 : i1 to i32
      %sign3A_211 = arith.subi %sign3A_207, %sign3A_210 : i32
      %sign3A_212 = arith.constant 0 : i32
      %sign3A_213 = arith.cmpi sgt, %jit3A_203, %sign3A_212 : i32
      %sign3A_214 = arith.extui %sign3A_213 : i1 to i32
      %sign3A_215 = arith.constant 0 : i32
      %sign3A_216 = arith.cmpi slt, %jit3A_203, %sign3A_215 : i32
      %sign3A_217 = arith.extui %sign3A_216 : i1 to i32
      %sign3A_218 = arith.subi %sign3A_214, %sign3A_217 : i32
      %ne3A_219 = arith.cmpi ne, %sign3A_211, %sign3A_218 : i32
      %rem3A_220 = arith.remsi %mul3A_111, %jit3A_203 : i32
      %ne3A_221 = arith.constant 0 : i32
      %ne3A_222 = arith.cmpi ne, %rem3A_220, %ne3A_221 : i32
      %and3A_223 = arith.andi %ne3A_219, %ne3A_222 : i1
      %sub3A_224 = arith.constant 1 : i32
      %sub3A_225 = arith.subi %div3A_204, %sub3A_224 : i32
      %select_n3A_226 = arith.select %and3A_223, %sub3A_225, %div3A_204 : i32
      %mul3A_227 = arith.constant 14 : i32
      %mul3A_228 = arith.muli %select_n3A_226, %mul3A_227 : i32
      %sub3A_229 = arith.subi %mul3A_111, %mul3A_228 : i32
      %mul3A_230 = arith.constant 3584 : i32
      %mul3A_231 = arith.muli %sub3A_229, %mul3A_230 : i32
      %broadcast_in_dim3A = arith.constant 0.000000e+00 : f32
      %broadcast_in_dim3A_232 = vector.broadcast %broadcast_in_dim3A : f32 to vector<16xf32>
      %broadcast_in_dim3A_233 = arith.constant 0.000000e+00 : f32
      %broadcast_in_dim3A_234 = vector.broadcast %broadcast_in_dim3A_233 : f32 to vector<16xf32>
      %broadcast_in_dim3A_235 = arith.constant 0.000000e+00 : f32
      %broadcast_in_dim3A_236 = vector.broadcast %broadcast_in_dim3A_235 : f32 to vector<16xf32>
      %broadcast_in_dim3A_237 = arith.constant 0.000000e+00 : f32
      %broadcast_in_dim3A_238 = vector.broadcast %broadcast_in_dim3A_237 : f32 to vector<16xf32>
      %broadcast_in_dim3A_239 = arith.constant 0.000000e+00 : f32
      %broadcast_in_dim3A_240 = vector.broadcast %broadcast_in_dim3A_239 : f32 to vector<16xf32>
      %broadcast_in_dim3A_241 = arith.constant 0.000000e+00 : f32
      %broadcast_in_dim3A_242 = vector.broadcast %broadcast_in_dim3A_241 : f32 to vector<16xf32>
      %broadcast_in_dim3A_243 = arith.constant 0.000000e+00 : f32
      %broadcast_in_dim3A_244 = vector.broadcast %broadcast_in_dim3A_243 : f32 to vector<16xf32>
      %broadcast_in_dim3A_245 = arith.constant 0.000000e+00 : f32
      %broadcast_in_dim3A_246 = vector.broadcast %broadcast_in_dim3A_245 : f32 to vector<16xf32>
      %scan3A_247 = arith.constant 0 : i32
      %scan3A_248 = arith.constant 224 : i32
      %scan3A_249 = arith.addi %scan3A_247, %scan3A_248 : i32
      %scan3A_250 = arith.constant 1 : i32
      %scan3A_251:8 = scf.for %scan3A_586 = %scan3A_247 to %scan3A_249 step %scan3A_250 iter_args(%scan3A_587 = %broadcast_in_dim3A_232, %scan3A_588 = %broadcast_in_dim3A_234, %scan3A_589 = %broadcast_in_dim3A_236, %scan3A_590 = %broadcast_in_dim3A_238, %scan3A_591 = %broadcast_in_dim3A_240, %scan3A_592 = %broadcast_in_dim3A_242, %scan3A_593 = %broadcast_in_dim3A_244, %scan3A_594 = %broadcast_in_dim3A_246) -> (vector<16xf32>, vector<16xf32>, vector<16xf32>, vector<16xf32>, vector<16xf32>, vector<16xf32>, vector<16xf32>, vector<16xf32>)  : i32 {
        %mul3A_595 = arith.constant 16 : i32
        %mul3A_596 = arith.muli %scan3A_586, %mul3A_595 : i32
        %add3A_597 = arith.addi %mul3A_231, %mul3A_596 : i32
        %get3A_598 = arith.index_cast %add3A_597 : i32 to index
        %get3A_599 = tpu.vector_load %arg7[%get3A_598] {strides = array<i32>} : memref<50176xf32, #tpu.memory_space<vmem>>, vector<16xf32>,
        %get3A_600 = vector.shape_cast %get3A_599 : vector<16xf32> to vector<16xf32>
        %mul3A_601 = arith.constant 16 : i32
        %mul3A_602 = arith.muli %scan3A_586, %mul3A_601 : i32
        %get3A_603 = arith.constant 0 : i32
        %get3A_604 = arith.constant 0 : i32
        %get3A_605 = arith.index_cast %get3A_603 : i32 to index
        %get3A_606 = arith.index_cast %get3A_604 : i32 to index
        %get3A_607 = arith.index_cast %mul3A_602 : i32 to index
        %get3A_608 = tpu.vector_load %arg6[%get3A_605, %get3A_606, %get3A_607] {strides = array<i32>} : memref<2x8x3584xf32, #tpu.memory_space<vmem>>, vector<1x1x16xf32>,
        %get3A_609 = vector.shape_cast %get3A_608 : vector<1x1x16xf32> to vector<16xf32>
        %mul3A_610 = arith.mulf %get3A_609, %get3A_600 : vector<16xf32>
        %add3A_611 = arith.addf %scan3A_587, %mul3A_610 : vector<16xf32>
        %mul3A_612 = arith.constant 16 : i32
        %mul3A_613 = arith.muli %scan3A_586, %mul3A_612 : i32
        %get3A_614 = arith.constant 0 : i32
        %get3A_615 = arith.constant 1 : i32
        %get3A_616 = arith.index_cast %get3A_614 : i32 to index
        %get3A_617 = arith.index_cast %get3A_615 : i32 to index
        %get3A_618 = arith.index_cast %mul3A_613 : i32 to index
        %get3A_619 = tpu.vector_load %arg6[%get3A_616, %get3A_617, %get3A_618] {strides = array<i32>} : memref<2x8x3584xf32, #tpu.memory_space<vmem>>, vector<1x1x16xf32>,
        %get3A_620 = vector.shape_cast %get3A_619 : vector<1x1x16xf32> to vector<16xf32>
        %mul3A_621 = arith.mulf %get3A_620, %get3A_600 : vector<16xf32>
        %add3A_622 = arith.addf %scan3A_588, %mul3A_621 : vector<16xf32>
        %mul3A_623 = arith.constant 16 : i32
        %mul3A_624 = arith.muli %scan3A_586, %mul3A_623 : i32
        %get3A_625 = arith.constant 0 : i32
        %get3A_626 = arith.constant 2 : i32
        %get3A_627 = arith.index_cast %get3A_625 : i32 to index
        %get3A_628 = arith.index_cast %get3A_626 : i32 to index
        %get3A_629 = arith.index_cast %mul3A_624 : i32 to index
        %get3A_630 = tpu.vector_load %arg6[%get3A_627, %get3A_628, %get3A_629] {strides = array<i32>} : memref<2x8x3584xf32, #tpu.memory_space<vmem>>, vector<1x1x16xf32>,
        %get3A_631 = vector.shape_cast %get3A_630 : vector<1x1x16xf32> to vector<16xf32>
        %mul3A_632 = arith.mulf %get3A_631, %get3A_600 : vector<16xf32>
        %add3A_633 = arith.addf %scan3A_589, %mul3A_632 : vector<16xf32>
        %mul3A_634 = arith.constant 16 : i32
        %mul3A_635 = arith.muli %scan3A_586, %mul3A_634 : i32
        %get3A_636 = arith.constant 0 : i32
        %get3A_637 = arith.constant 3 : i32
        %get3A_638 = arith.index_cast %get3A_636 : i32 to index
        %get3A_639 = arith.index_cast %get3A_637 : i32 to index
        %get3A_640 = arith.index_cast %mul3A_635 : i32 to index
        %get3A_641 = tpu.vector_load %arg6[%get3A_638, %get3A_639, %get3A_640] {strides = array<i32>} : memref<2x8x3584xf32, #tpu.memory_space<vmem>>, vector<1x1x16xf32>,
        %get3A_642 = vector.shape_cast %get3A_641 : vector<1x1x16xf32> to vector<16xf32>
        %mul3A_643 = arith.mulf %get3A_642, %get3A_600 : vector<16xf32>
        %add3A_644 = arith.addf %scan3A_590, %mul3A_643 : vector<16xf32>
        %mul3A_645 = arith.constant 16 : i32
        %mul3A_646 = arith.muli %scan3A_586, %mul3A_645 : i32
        %get3A_647 = arith.constant 0 : i32
        %get3A_648 = arith.constant 4 : i32
        %get3A_649 = arith.index_cast %get3A_647 : i32 to index
        %get3A_650 = arith.index_cast %get3A_648 : i32 to index
        %get3A_651 = arith.index_cast %mul3A_646 : i32 to index
        %get3A_652 = tpu.vector_load %arg6[%get3A_649, %get3A_650, %get3A_651] {strides = array<i32>} : memref<2x8x3584xf32, #tpu.memory_space<vmem>>, vector<1x1x16xf32>,
        %get3A_653 = vector.shape_cast %get3A_652 : vector<1x1x16xf32> to vector<16xf32>
        %mul3A_654 = arith.mulf %get3A_653, %get3A_600 : vector<16xf32>
        %add3A_655 = arith.addf %scan3A_591, %mul3A_654 : vector<16xf32>
        %mul3A_656 = arith.constant 16 : i32
        %mul3A_657 = arith.muli %scan3A_586, %mul3A_656 : i32
        %get3A_658 = arith.constant 0 : i32
        %get3A_659 = arith.constant 5 : i32
        %get3A_660 = arith.index_cast %get3A_658 : i32 to index
        %get3A_661 = arith.index_cast %get3A_659 : i32 to index
        %get3A_662 = arith.index_cast %mul3A_657 : i32 to index
        %get3A_663 = tpu.vector_load %arg6[%get3A_660, %get3A_661, %get3A_662] {strides = array<i32>} : memref<2x8x3584xf32, #tpu.memory_space<vmem>>, vector<1x1x16xf32>,
        %get3A_664 = vector.shape_cast %get3A_663 : vector<1x1x16xf32> to vector<16xf32>
        %mul3A_665 = arith.mulf %get3A_664, %get3A_600 : vector<16xf32>
        %add3A_666 = arith.addf %scan3A_592, %mul3A_665 : vector<16xf32>
        %mul3A_667 = arith.constant 16 : i32
        %mul3A_668 = arith.muli %scan3A_586, %mul3A_667 : i32
        %get3A_669 = arith.constant 0 : i32
        %get3A_670 = arith.constant 6 : i32
        %get3A_671 = arith.index_cast %get3A_669 : i32 to index
        %get3A_672 = arith.index_cast %get3A_670 : i32 to index
        %get3A_673 = arith.index_cast %mul3A_668 : i32 to index
        %get3A_674 = tpu.vector_load %arg6[%get3A_671, %get3A_672, %get3A_673] {strides = array<i32>} : memref<2x8x3584xf32, #tpu.memory_space<vmem>>, vector<1x1x16xf32>,
        %get3A_675 = vector.shape_cast %get3A_674 : vector<1x1x16xf32> to vector<16xf32>
        %mul3A_676 = arith.mulf %get3A_675, %get3A_600 : vector<16xf32>
        %add3A_677 = arith.addf %scan3A_593, %mul3A_676 : vector<16xf32>
        %mul3A_678 = arith.constant 16 : i32
        %mul3A_679 = arith.muli %scan3A_586, %mul3A_678 : i32
        %get3A_680 = arith.constant 0 : i32
        %get3A_681 = arith.constant 7 : i32
        %get3A_682 = arith.index_cast %get3A_680 : i32 to index
        %get3A_683 = arith.index_cast %get3A_681 : i32 to index
        %get3A_684 = arith.index_cast %mul3A_679 : i32 to index
        %get3A_685 = tpu.vector_load %arg6[%get3A_682, %get3A_683, %get3A_684] {strides = array<i32>} : memref<2x8x3584xf32, #tpu.memory_space<vmem>>, vector<1x1x16xf32>,
        %get3A_686 = vector.shape_cast %get3A_685 : vector<1x1x16xf32> to vector<16xf32>
        %mul3A_687 = arith.mulf %get3A_686, %get3A_600 : vector<16xf32>
        %add3A_688 = arith.addf %scan3A_594, %mul3A_687 : vector<16xf32>
        scf.yield %add3A_611, %add3A_622, %add3A_633, %add3A_644, %add3A_655, %add3A_666, %add3A_677, %add3A_688 : vector<16xf32>, vector<16xf32>, vector<16xf32>, vector<16xf32>, vector<16xf32>, vector<16xf32>, vector<16xf32>, vector<16xf32>
      }
      %scan3A_252 = arith.constant 224 : i32
      %mul3A_253 = arith.constant 8 : i32
      %mul3A_254 = arith.muli %select_n3A_226, %mul3A_253 : i32
      %add3A_255 = arith.constant 0 : i32
      %add3A_256 = arith.addi %mul3A_254, %add3A_255 : i32
      %get3A = arith.index_cast %add3A_256 : i32 to index
      %get3A_257 = arith.constant 0 : index
      %get3A_258 = tpu.vector_load %arg8[%get3A, %get3A_257] {strides = array<i32>} : memref<96x16xf32, #tpu.memory_space<vmem>>, vector<1x16xf32>,
      %get3A_259 = vector.shape_cast %get3A_258 : vector<1x16xf32> to vector<16xf32>
      %add3A_260 = arith.addf %get3A_259, %scan3A_251#0 : vector<16xf32>
      %add3A_261 = arith.constant 0 : i32
      %add3A_262 = arith.addi %mul3A_254, %add3A_261 : i32
      %swap3A = arith.index_cast %add3A_262 : i32 to index
      %swap3A_263 = arith.constant 0 : index
      %swap3A_264 = tpu.vector_load %arg8[%swap3A, %swap3A_263] {strides = array<i32>} : memref<96x16xf32, #tpu.memory_space<vmem>>, vector<1x16xf32>,
      %swap3A_265 = vector.shape_cast %swap3A_264 : vector<1x16xf32> to vector<16xf32>
      %swap3A_266 = vector.shape_cast %add3A_260 : vector<16xf32> to vector<1x16xf32>
      tpu.vector_store %arg8[%swap3A, %swap3A_263], %swap3A_266 {strides = array<i32>} : memref<96x16xf32, #tpu.memory_space<vmem>>, vector<1x16xf32>,
      %add3A_267 = arith.constant 1 : i32
      %add3A_268 = arith.addi %mul3A_254, %add3A_267 : i32
      %get3A_269 = arith.index_cast %add3A_268 : i32 to index
      %get3A_270 = arith.constant 0 : index
      %get3A_271 = tpu.vector_load %arg8[%get3A_269, %get3A_270] {strides = array<i32>} : memref<96x16xf32, #tpu.memory_space<vmem>>, vector<1x16xf32>,
      %get3A_272 = vector.shape_cast %get3A_271 : vector<1x16xf32> to vector<16xf32>
      %add3A_273 = arith.addf %get3A_272, %scan3A_251#1 : vector<16xf32>
      %add3A_274 = arith.constant 1 : i32
      %add3A_275 = arith.addi %mul3A_254, %add3A_274 : i32
      %swap3A_276 = arith.index_cast %add3A_275 : i32 to index
      %swap3A_277 = arith.constant 0 : index
      %swap3A_278 = tpu.vector_load %arg8[%swap3A_276, %swap3A_277] {strides = array<i32>} : memref<96x16xf32, #tpu.memory_space<vmem>>, vector<1x16xf32>,
      %swap3A_279 = vector.shape_cast %swap3A_278 : vector<1x16xf32> to vector<16xf32>
      %swap3A_280 = vector.shape_cast %add3A_273 : vector<16xf32> to vector<1x16xf32>
      tpu.vector_store %arg8[%swap3A_276, %swap3A_277], %swap3A_280 {strides = array<i32>} : memref<96x16xf32, #tpu.memory_space<vmem>>, vector<1x16xf32>,
      %add3A_281 = arith.constant 2 : i32
      %add3A_282 = arith.addi %mul3A_254, %add3A_281 : i32
      %get3A_283 = arith.index_cast %add3A_282 : i32 to index
      %get3A_284 = arith.constant 0 : index
      %get3A_285 = tpu.vector_load %arg8[%get3A_283, %get3A_284] {strides = array<i32>} : memref<96x16xf32, #tpu.memory_space<vmem>>, vector<1x16xf32>,
      %get3A_286 = vector.shape_cast %get3A_285 : vector<1x16xf32> to vector<16xf32>
      %add3A_287 = arith.addf %get3A_286, %scan3A_251#2 : vector<16xf32>
      %add3A_288 = arith.constant 2 : i32
      %add3A_289 = arith.addi %mul3A_254, %add3A_288 : i32
      %swap3A_290 = arith.index_cast %add3A_289 : i32 to index
      %swap3A_291 = arith.constant 0 : index
      %swap3A_292 = tpu.vector_load %arg8[%swap3A_290, %swap3A_291] {strides = array<i32>} : memref<96x16xf32, #tpu.memory_space<vmem>>, vector<1x16xf32>,
      %swap3A_293 = vector.shape_cast %swap3A_292 : vector<1x16xf32> to vector<16xf32>
      %swap3A_294 = vector.shape_cast %add3A_287 : vector<16xf32> to vector<1x16xf32>
      tpu.vector_store %arg8[%swap3A_290, %swap3A_291], %swap3A_294 {strides = array<i32>} : memref<96x16xf32, #tpu.memory_space<vmem>>, vector<1x16xf32>,
      %add3A_295 = arith.constant 3 : i32
      %add3A_296 = arith.addi %mul3A_254, %add3A_295 : i32
      %get3A_297 = arith.index_cast %add3A_296 : i32 to index
      %get3A_298 = arith.constant 0 : index
      %get3A_299 = tpu.vector_load %arg8[%get3A_297, %get3A_298] {strides = array<i32>} : memref<96x16xf32, #tpu.memory_space<vmem>>, vector<1x16xf32>,
      %get3A_300 = vector.shape_cast %get3A_299 : vector<1x16xf32> to vector<16xf32>
      %add3A_301 = arith.addf %get3A_300, %scan3A_251#3 : vector<16xf32>
      %add3A_302 = arith.constant 3 : i32
      %add3A_303 = arith.addi %mul3A_254, %add3A_302 : i32
      %swap3A_304 = arith.index_cast %add3A_303 : i32 to index
      %swap3A_305 = arith.constant 0 : index
      %swap3A_306 = tpu.vector_load %arg8[%swap3A_304, %swap3A_305] {strides = array<i32>} : memref<96x16xf32, #tpu.memory_space<vmem>>, vector<1x16xf32>,
      %swap3A_307 = vector.shape_cast %swap3A_306 : vector<1x16xf32> to vector<16xf32>
      %swap3A_308 = vector.shape_cast %add3A_301 : vector<16xf32> to vector<1x16xf32>
      tpu.vector_store %arg8[%swap3A_304, %swap3A_305], %swap3A_308 {strides = array<i32>} : memref<96x16xf32, #tpu.memory_space<vmem>>, vector<1x16xf32>,
      %add3A_309 = arith.constant 4 : i32
      %add3A_310 = arith.addi %mul3A_254, %add3A_309 : i32
      %get3A_311 = arith.index_cast %add3A_310 : i32 to index
      %get3A_312 = arith.constant 0 : index
      %get3A_313 = tpu.vector_load %arg8[%get3A_311, %get3A_312] {strides = array<i32>} : memref<96x16xf32, #tpu.memory_space<vmem>>, vector<1x16xf32>,
      %get3A_314 = vector.shape_cast %get3A_313 : vector<1x16xf32> to vector<16xf32>
      %add3A_315 = arith.addf %get3A_314, %scan3A_251#4 : vector<16xf32>
      %add3A_316 = arith.constant 4 : i32
      %add3A_317 = arith.addi %mul3A_254, %add3A_316 : i32
      %swap3A_318 = arith.index_cast %add3A_317 : i32 to index
      %swap3A_319 = arith.constant 0 : index
      %swap3A_320 = tpu.vector_load %arg8[%swap3A_318, %swap3A_319] {strides = array<i32>} : memref<96x16xf32, #tpu.memory_space<vmem>>, vector<1x16xf32>,
      %swap3A_321 = vector.shape_cast %swap3A_320 : vector<1x16xf32> to vector<16xf32>
      %swap3A_322 = vector.shape_cast %add3A_315 : vector<16xf32> to vector<1x16xf32>
      tpu.vector_store %arg8[%swap3A_318, %swap3A_319], %swap3A_322 {strides = array<i32>} : memref<96x16xf32, #tpu.memory_space<vmem>>, vector<1x16xf32>,
      %add3A_323 = arith.constant 5 : i32
      %add3A_324 = arith.addi %mul3A_254, %add3A_323 : i32
      %get3A_325 = arith.index_cast %add3A_324 : i32 to index
      %get3A_326 = arith.constant 0 : index
      %get3A_327 = tpu.vector_load %arg8[%get3A_325, %get3A_326] {strides = array<i32>} : memref<96x16xf32, #tpu.memory_space<vmem>>, vector<1x16xf32>,
      %get3A_328 = vector.shape_cast %get3A_327 : vector<1x16xf32> to vector<16xf32>
      %add3A_329 = arith.addf %get3A_328, %scan3A_251#5 : vector<16xf32>
      %add3A_330 = arith.constant 5 : i32
      %add3A_331 = arith.addi %mul3A_254, %add3A_330 : i32
      %swap3A_332 = arith.index_cast %add3A_331 : i32 to index
      %swap3A_333 = arith.constant 0 : index
      %swap3A_334 = tpu.vector_load %arg8[%swap3A_332, %swap3A_333] {strides = array<i32>} : memref<96x16xf32, #tpu.memory_space<vmem>>, vector<1x16xf32>,
      %swap3A_335 = vector.shape_cast %swap3A_334 : vector<1x16xf32> to vector<16xf32>
      %swap3A_336 = vector.shape_cast %add3A_329 : vector<16xf32> to vector<1x16xf32>
      tpu.vector_store %arg8[%swap3A_332, %swap3A_333], %swap3A_336 {strides = array<i32>} : memref<96x16xf32, #tpu.memory_space<vmem>>, vector<1x16xf32>,
      %add3A_337 = arith.constant 6 : i32
      %add3A_338 = arith.addi %mul3A_254, %add3A_337 : i32
      %get3A_339 = arith.index_cast %add3A_338 : i32 to index
      %get3A_340 = arith.constant 0 : index
      %get3A_341 = tpu.vector_load %arg8[%get3A_339, %get3A_340] {strides = array<i32>} : memref<96x16xf32, #tpu.memory_space<vmem>>, vector<1x16xf32>,
      %get3A_342 = vector.shape_cast %get3A_341 : vector<1x16xf32> to vector<16xf32>
      %add3A_343 = arith.addf %get3A_342, %scan3A_251#6 : vector<16xf32>
      %add3A_344 = arith.constant 6 : i32
      %add3A_345 = arith.addi %mul3A_254, %add3A_344 : i32
      %swap3A_346 = arith.index_cast %add3A_345 : i32 to index
      %swap3A_347 = arith.constant 0 : index
      %swap3A_348 = tpu.vector_load %arg8[%swap3A_346, %swap3A_347] {strides = array<i32>} : memref<96x16xf32, #tpu.memory_space<vmem>>, vector<1x16xf32>,
      %swap3A_349 = vector.shape_cast %swap3A_348 : vector<1x16xf32> to vector<16xf32>
      %swap3A_350 = vector.shape_cast %add3A_343 : vector<16xf32> to vector<1x16xf32>
      tpu.vector_store %arg8[%swap3A_346, %swap3A_347], %swap3A_350 {strides = array<i32>} : memref<96x16xf32, #tpu.memory_space<vmem>>, vector<1x16xf32>,
      %add3A_351 = arith.constant 7 : i32
      %add3A_352 = arith.addi %mul3A_254, %add3A_351 : i32
      %get3A_353 = arith.index_cast %add3A_352 : i32 to index
      %get3A_354 = arith.constant 0 : index
      %get3A_355 = tpu.vector_load %arg8[%get3A_353, %get3A_354] {strides = array<i32>} : memref<96x16xf32, #tpu.memory_space<vmem>>, vector<1x16xf32>,
      %get3A_356 = vector.shape_cast %get3A_355 : vector<1x16xf32> to vector<16xf32>
      %add3A_357 = arith.addf %get3A_356, %scan3A_251#7 : vector<16xf32>
      %add3A_358 = arith.constant 7 : i32
      %add3A_359 = arith.addi %mul3A_254, %add3A_358 : i32
      %swap3A_360 = arith.index_cast %add3A_359 : i32 to index
      %swap3A_361 = arith.constant 0 : index
      %swap3A_362 = tpu.vector_load %arg8[%swap3A_360, %swap3A_361] {strides = array<i32>} : memref<96x16xf32, #tpu.memory_space<vmem>>, vector<1x16xf32>,
      %swap3A_363 = vector.shape_cast %swap3A_362 : vector<1x16xf32> to vector<16xf32>
      %swap3A_364 = vector.shape_cast %add3A_357 : vector<16xf32> to vector<1x16xf32>
      tpu.vector_store %arg8[%swap3A_360, %swap3A_361], %swap3A_364 {strides = array<i32>} : memref<96x16xf32, #tpu.memory_space<vmem>>, vector<1x16xf32>,
      %add3A_365 = arith.constant 2 : i32
      %add3A_366 = arith.addi %mul3A_111, %add3A_365 : i32
      %lt3A_367 = arith.constant 168 : i32
      %lt3A_368 = arith.cmpi slt, %add3A_366, %lt3A_367 : i32
      %convert_element_type3A_369 = arith.extui %lt3A_368 : i1 to i32
      %cond3A_370 = arith.constant 0 : i32
      %cond3A_371 = arith.cmpi ne, %convert_element_type3A_369, %cond3A_370 : i32
      scf.if %cond3A_371 {
        %add3A_586 = arith.constant 2 : i32
        %add3A_587 = arith.addi %mul3A_111, %add3A_586 : i32
        %jit3A_588 = arith.constant 14 : i32
        %div3A_589 = arith.divsi %add3A_587, %jit3A_588 : i32
        %sign3A_590 = arith.constant 0 : i32
        %sign3A_591 = arith.cmpi sgt, %add3A_587, %sign3A_590 : i32
        %sign3A_592 = arith.extui %sign3A_591 : i1 to i32
        %sign3A_593 = arith.constant 0 : i32
        %sign3A_594 = arith.cmpi slt, %add3A_587, %sign3A_593 : i32
        %sign3A_595 = arith.extui %sign3A_594 : i1 to i32
        %sign3A_596 = arith.subi %sign3A_592, %sign3A_595 : i32
        %sign3A_597 = arith.constant 0 : i32
        %sign3A_598 = arith.cmpi sgt, %jit3A_588, %sign3A_597 : i32
        %sign3A_599 = arith.extui %sign3A_598 : i1 to i32
        %sign3A_600 = arith.constant 0 : i32
        %sign3A_601 = arith.cmpi slt, %jit3A_588, %sign3A_600 : i32
        %sign3A_602 = arith.extui %sign3A_601 : i1 to i32
        %sign3A_603 = arith.subi %sign3A_599, %sign3A_602 : i32
        %ne3A_604 = arith.cmpi ne, %sign3A_596, %sign3A_603 : i32
        %rem3A_605 = arith.remsi %add3A_587, %jit3A_588 : i32
        %ne3A_606 = arith.constant 0 : i32
        %ne3A_607 = arith.cmpi ne, %rem3A_605, %ne3A_606 : i32
        %and3A_608 = arith.andi %ne3A_604, %ne3A_607 : i1
        %sub3A_609 = arith.constant 1 : i32
        %sub3A_610 = arith.subi %div3A_589, %sub3A_609 : i32
        %select_n3A_611 = arith.select %and3A_608, %sub3A_610, %div3A_589 : i32
        %mul3A_612 = arith.constant 14 : i32
        %mul3A_613 = arith.muli %select_n3A_611, %mul3A_612 : i32
        %sub3A_614 = arith.subi %add3A_587, %mul3A_613 : i32
        %mul3A_615 = arith.constant 8 : i32
        %mul3A_616 = arith.muli %select_n3A_611, %mul3A_615 : i32
        %add3A_617 = arith.addi %mul3A_32, %mul3A_616 : i32
        %mul3A_618 = arith.constant 3584 : i32
        %mul3A_619 = arith.muli %sub3A_614, %mul3A_618 : i32
        %dma_start3A_620 = arith.constant 0 : i32
        %dma_start3A_621 = arith.constant 0 : i32
        %dma_start3A_622 = arith.constant 0 : i32
        %dma_start3A_623 = tpu.memref_slice %arg6[%dma_start3A_620, %dma_start3A_621, %dma_start3A_622] : memref<2x8x3584xf32, #tpu.memory_space<vmem>> -> memref<1x8x3584xf32, #tpu.memory_space<vmem>>
        %dma_start3A_624 = tpu.memref_squeeze %dma_start3A_623 : memref<1x8x3584xf32, #tpu.memory_space<vmem>> -> memref<8x3584xf32, #tpu.memory_space<vmem>>
        %dma_start3A_625 = tpu.memref_slice %arg2[%select_n3A, %add3A_617, %mul3A_619] : memref<8x384x50176xf32, #tpu.memory_space<hbm>> -> memref<1x8x3584xf32, #tpu.memory_space<hbm>>
        %dma_start3A_626 = tpu.memref_squeeze %dma_start3A_625 : memref<1x8x3584xf32, #tpu.memory_space<hbm>> -> memref<8x3584xf32, #tpu.memory_space<hbm>>
        %dma_start3A_627 = arith.constant 0 : i32
        %dma_start3A_628 = arith.constant 0 : i32
        %dma_start3A_629 = tpu.memref_slice %arg6[%dma_start3A_620, %dma_start3A_627, %dma_start3A_628] : memref<2x8x3584xf32, #tpu.memory_space<vmem>> -> memref<1x8x3584xf32, #tpu.memory_space<vmem>>
        %dma_start3A_630 = tpu.memref_squeeze %dma_start3A_629 : memref<1x8x3584xf32, #tpu.memory_space<vmem>> -> memref<8x3584xf32, #tpu.memory_space<vmem>>
        %dma_start3A_631 = tpu.memref_slice %arg2[%select_n3A, %add3A_617, %mul3A_619] : memref<8x384x50176xf32, #tpu.memory_space<hbm>> -> memref<1x8x3584xf32, #tpu.memory_space<hbm>>
        %dma_start3A_632 = tpu.memref_squeeze %dma_start3A_631 : memref<1x8x3584xf32, #tpu.memory_space<hbm>> -> memref<8x3584xf32, #tpu.memory_space<hbm>>
        tpu.enqueue_dma source(%dma_start3A_632 : memref<8x3584xf32, #tpu.memory_space<hbm>>) target(%dma_start3A_630 : memref<8x3584xf32, #tpu.memory_space<vmem>>) target_semaphore(%arg10 : memref<!tpu.dma_semaphore, #tpu.memory_space<semaphore_mem>>)
      } else {
      }
      %add3A_372 = arith.constant 1 : i32
      %add3A_373 = arith.addi %mul3A_111, %add3A_372 : i32
      %jit3A_374 = arith.constant 14 : i32
      %div3A_375 = arith.divsi %add3A_373, %jit3A_374 : i32
      %sign3A_376 = arith.constant 0 : i32
      %sign3A_377 = arith.cmpi sgt, %add3A_373, %sign3A_376 : i32
      %sign3A_378 = arith.extui %sign3A_377 : i1 to i32
      %sign3A_379 = arith.constant 0 : i32
      %sign3A_380 = arith.cmpi slt, %add3A_373, %sign3A_379 : i32
      %sign3A_381 = arith.extui %sign3A_380 : i1 to i32
      %sign3A_382 = arith.subi %sign3A_378, %sign3A_381 : i32
      %sign3A_383 = arith.constant 0 : i32
      %sign3A_384 = arith.cmpi sgt, %jit3A_374, %sign3A_383 : i32
      %sign3A_385 = arith.extui %sign3A_384 : i1 to i32
      %sign3A_386 = arith.constant 0 : i32
      %sign3A_387 = arith.cmpi slt, %jit3A_374, %sign3A_386 : i32
      %sign3A_388 = arith.extui %sign3A_387 : i1 to i32
      %sign3A_389 = arith.subi %sign3A_385, %sign3A_388 : i32
      %ne3A_390 = arith.cmpi ne, %sign3A_382, %sign3A_389 : i32
      %rem3A_391 = arith.remsi %add3A_373, %jit3A_374 : i32
      %ne3A_392 = arith.constant 0 : i32
      %ne3A_393 = arith.cmpi ne, %rem3A_391, %ne3A_392 : i32
      %and3A_394 = arith.andi %ne3A_390, %ne3A_393 : i1
      %sub3A_395 = arith.constant 1 : i32
      %sub3A_396 = arith.subi %div3A_375, %sub3A_395 : i32
      %select_n3A_397 = arith.select %and3A_394, %sub3A_396, %div3A_375 : i32
      %mul3A_398 = arith.constant 14 : i32
      %mul3A_399 = arith.muli %select_n3A_397, %mul3A_398 : i32
      %sub3A_400 = arith.subi %add3A_373, %mul3A_399 : i32
      %mul3A_401 = arith.constant 8 : i32
      %mul3A_402 = arith.muli %select_n3A_397, %mul3A_401 : i32
      %add3A_403 = arith.addi %mul3A_32, %mul3A_402 : i32
      %mul3A_404 = arith.constant 3584 : i32
      %mul3A_405 = arith.muli %sub3A_400, %mul3A_404 : i32
      %dma_wait3A_406 = arith.constant 1 : i32
      %dma_wait3A_407 = arith.constant 0 : i32
      %dma_wait3A_408 = arith.constant 0 : i32
      %dma_wait3A_409 = tpu.memref_slice %arg6[%dma_wait3A_406, %dma_wait3A_407, %dma_wait3A_408] : memref<2x8x3584xf32, #tpu.memory_space<vmem>> -> memref<1x8x3584xf32, #tpu.memory_space<vmem>>
      %dma_wait3A_410 = tpu.memref_squeeze %dma_wait3A_409 : memref<1x8x3584xf32, #tpu.memory_space<vmem>> -> memref<8x3584xf32, #tpu.memory_space<vmem>>
      %dma_wait3A_411 = tpu.memref_slice %arg2[%select_n3A, %add3A_403, %mul3A_405] : memref<8x384x50176xf32, #tpu.memory_space<hbm>> -> memref<1x8x3584xf32, #tpu.memory_space<hbm>>
      %dma_wait3A_412 = tpu.memref_squeeze %dma_wait3A_411 : memref<1x8x3584xf32, #tpu.memory_space<hbm>> -> memref<8x3584xf32, #tpu.memory_space<hbm>>
      %dma_wait3A_413 = arith.constant 0 : i32
      %dma_wait3A_414 = arith.constant 0 : i32
      %dma_wait3A_415 = tpu.memref_slice %arg6[%dma_wait3A_406, %dma_wait3A_413, %dma_wait3A_414] : memref<2x8x3584xf32, #tpu.memory_space<vmem>> -> memref<1x8x3584xf32, #tpu.memory_space<vmem>>
      %dma_wait3A_416 = tpu.memref_squeeze %dma_wait3A_415 : memref<1x8x3584xf32, #tpu.memory_space<vmem>> -> memref<8x3584xf32, #tpu.memory_space<vmem>>
      %dma_wait3A_417 = tpu.memref_slice %arg2[%select_n3A, %add3A_403, %mul3A_405] : memref<8x384x50176xf32, #tpu.memory_space<hbm>> -> memref<1x8x3584xf32, #tpu.memory_space<hbm>>
      %dma_wait3A_418 = tpu.memref_squeeze %dma_wait3A_417 : memref<1x8x3584xf32, #tpu.memory_space<hbm>> -> memref<8x3584xf32, #tpu.memory_space<hbm>>
      tpu.wait_dma2 semaphore(%arg11 : memref<!tpu.dma_semaphore, #tpu.memory_space<semaphore_mem>>) src(%dma_wait3A_418 : memref<8x3584xf32, #tpu.memory_space<hbm>>) dst(%dma_wait3A_416 : memref<8x3584xf32, #tpu.memory_space<vmem>>)
      %add3A_419 = arith.constant 1 : i32
      %add3A_420 = arith.addi %mul3A_111, %add3A_419 : i32
      %jit3A_421 = arith.constant 14 : i32
      %div3A_422 = arith.divsi %add3A_420, %jit3A_421 : i32
      %sign3A_423 = arith.constant 0 : i32
      %sign3A_424 = arith.cmpi sgt, %add3A_420, %sign3A_423 : i32
      %sign3A_425 = arith.extui %sign3A_424 : i1 to i32
      %sign3A_426 = arith.constant 0 : i32
      %sign3A_427 = arith.cmpi slt, %add3A_420, %sign3A_426 : i32
      %sign3A_428 = arith.extui %sign3A_427 : i1 to i32
      %sign3A_429 = arith.subi %sign3A_425, %sign3A_428 : i32
      %sign3A_430 = arith.constant 0 : i32
      %sign3A_431 = arith.cmpi sgt, %jit3A_421, %sign3A_430 : i32
      %sign3A_432 = arith.extui %sign3A_431 : i1 to i32
      %sign3A_433 = arith.constant 0 : i32
      %sign3A_434 = arith.cmpi slt, %jit3A_421, %sign3A_433 : i32
      %sign3A_435 = arith.extui %sign3A_434 : i1 to i32
      %sign3A_436 = arith.subi %sign3A_432, %sign3A_435 : i32
      %ne3A_437 = arith.cmpi ne, %sign3A_429, %sign3A_436 : i32
      %rem3A_438 = arith.remsi %add3A_420, %jit3A_421 : i32
      %ne3A_439 = arith.constant 0 : i32
      %ne3A_440 = arith.cmpi ne, %rem3A_438, %ne3A_439 : i32
      %and3A_441 = arith.andi %ne3A_437, %ne3A_440 : i1
      %sub3A_442 = arith.constant 1 : i32
      %sub3A_443 = arith.subi %div3A_422, %sub3A_442 : i32
      %select_n3A_444 = arith.select %and3A_441, %sub3A_443, %div3A_422 : i32
      %mul3A_445 = arith.constant 14 : i32
      %mul3A_446 = arith.muli %select_n3A_444, %mul3A_445 : i32
      %sub3A_447 = arith.subi %add3A_420, %mul3A_446 : i32
      %mul3A_448 = arith.constant 3584 : i32
      %mul3A_449 = arith.muli %sub3A_447, %mul3A_448 : i32
      %broadcast_in_dim3A_450 = arith.constant 0.000000e+00 : f32
      %broadcast_in_dim3A_451 = vector.broadcast %broadcast_in_dim3A_450 : f32 to vector<16xf32>
      %broadcast_in_dim3A_452 = arith.constant 0.000000e+00 : f32
      %broadcast_in_dim3A_453 = vector.broadcast %broadcast_in_dim3A_452 : f32 to vector<16xf32>
      %broadcast_in_dim3A_454 = arith.constant 0.000000e+00 : f32
      %broadcast_in_dim3A_455 = vector.broadcast %broadcast_in_dim3A_454 : f32 to vector<16xf32>
      %broadcast_in_dim3A_456 = arith.constant 0.000000e+00 : f32
      %broadcast_in_dim3A_457 = vector.broadcast %broadcast_in_dim3A_456 : f32 to vector<16xf32>
      %broadcast_in_dim3A_458 = arith.constant 0.000000e+00 : f32
      %broadcast_in_dim3A_459 = vector.broadcast %broadcast_in_dim3A_458 : f32 to vector<16xf32>
      %broadcast_in_dim3A_460 = arith.constant 0.000000e+00 : f32
      %broadcast_in_dim3A_461 = vector.broadcast %broadcast_in_dim3A_460 : f32 to vector<16xf32>
      %broadcast_in_dim3A_462 = arith.constant 0.000000e+00 : f32
      %broadcast_in_dim3A_463 = vector.broadcast %broadcast_in_dim3A_462 : f32 to vector<16xf32>
      %broadcast_in_dim3A_464 = arith.constant 0.000000e+00 : f32
      %broadcast_in_dim3A_465 = vector.broadcast %broadcast_in_dim3A_464 : f32 to vector<16xf32>
      %scan3A_466 = arith.constant 0 : i32
      %scan3A_467 = arith.constant 224 : i32
      %scan3A_468 = arith.addi %scan3A_466, %scan3A_467 : i32
      %scan3A_469 = arith.constant 1 : i32
      %scan3A_470:8 = scf.for %scan3A_586 = %scan3A_466 to %scan3A_468 step %scan3A_469 iter_args(%scan3A_587 = %broadcast_in_dim3A_451, %scan3A_588 = %broadcast_in_dim3A_453, %scan3A_589 = %broadcast_in_dim3A_455, %scan3A_590 = %broadcast_in_dim3A_457, %scan3A_591 = %broadcast_in_dim3A_459, %scan3A_592 = %broadcast_in_dim3A_461, %scan3A_593 = %broadcast_in_dim3A_463, %scan3A_594 = %broadcast_in_dim3A_465) -> (vector<16xf32>, vector<16xf32>, vector<16xf32>, vector<16xf32>, vector<16xf32>, vector<16xf32>, vector<16xf32>, vector<16xf32>)  : i32 {
        %mul3A_595 = arith.constant 16 : i32
        %mul3A_596 = arith.muli %scan3A_586, %mul3A_595 : i32
        %add3A_597 = arith.addi %mul3A_449, %mul3A_596 : i32
        %get3A_598 = arith.index_cast %add3A_597 : i32 to index
        %get3A_599 = tpu.vector_load %arg7[%get3A_598] {strides = array<i32>} : memref<50176xf32, #tpu.memory_space<vmem>>, vector<16xf32>,
        %get3A_600 = vector.shape_cast %get3A_599 : vector<16xf32> to vector<16xf32>
        %mul3A_601 = arith.constant 16 : i32
        %mul3A_602 = arith.muli %scan3A_586, %mul3A_601 : i32
        %get3A_603 = arith.constant 1 : i32
        %get3A_604 = arith.constant 0 : i32
        %get3A_605 = arith.index_cast %get3A_603 : i32 to index
        %get3A_606 = arith.index_cast %get3A_604 : i32 to index
        %get3A_607 = arith.index_cast %mul3A_602 : i32 to index
        %get3A_608 = tpu.vector_load %arg6[%get3A_605, %get3A_606, %get3A_607] {strides = array<i32>} : memref<2x8x3584xf32, #tpu.memory_space<vmem>>, vector<1x1x16xf32>,
        %get3A_609 = vector.shape_cast %get3A_608 : vector<1x1x16xf32> to vector<16xf32>
        %mul3A_610 = arith.mulf %get3A_609, %get3A_600 : vector<16xf32>
        %add3A_611 = arith.addf %scan3A_587, %mul3A_610 : vector<16xf32>
        %mul3A_612 = arith.constant 16 : i32
        %mul3A_613 = arith.muli %scan3A_586, %mul3A_612 : i32
        %get3A_614 = arith.constant 1 : i32
        %get3A_615 = arith.constant 1 : i32
        %get3A_616 = arith.index_cast %get3A_614 : i32 to index
        %get3A_617 = arith.index_cast %get3A_615 : i32 to index
        %get3A_618 = arith.index_cast %mul3A_613 : i32 to index
        %get3A_619 = tpu.vector_load %arg6[%get3A_616, %get3A_617, %get3A_618] {strides = array<i32>} : memref<2x8x3584xf32, #tpu.memory_space<vmem>>, vector<1x1x16xf32>,
        %get3A_620 = vector.shape_cast %get3A_619 : vector<1x1x16xf32> to vector<16xf32>
        %mul3A_621 = arith.mulf %get3A_620, %get3A_600 : vector<16xf32>
        %add3A_622 = arith.addf %scan3A_588, %mul3A_621 : vector<16xf32>
        %mul3A_623 = arith.constant 16 : i32
        %mul3A_624 = arith.muli %scan3A_586, %mul3A_623 : i32
        %get3A_625 = arith.constant 1 : i32
        %get3A_626 = arith.constant 2 : i32
        %get3A_627 = arith.index_cast %get3A_625 : i32 to index
        %get3A_628 = arith.index_cast %get3A_626 : i32 to index
        %get3A_629 = arith.index_cast %mul3A_624 : i32 to index
        %get3A_630 = tpu.vector_load %arg6[%get3A_627, %get3A_628, %get3A_629] {strides = array<i32>} : memref<2x8x3584xf32, #tpu.memory_space<vmem>>, vector<1x1x16xf32>,
        %get3A_631 = vector.shape_cast %get3A_630 : vector<1x1x16xf32> to vector<16xf32>
        %mul3A_632 = arith.mulf %get3A_631, %get3A_600 : vector<16xf32>
        %add3A_633 = arith.addf %scan3A_589, %mul3A_632 : vector<16xf32>
        %mul3A_634 = arith.constant 16 : i32
        %mul3A_635 = arith.muli %scan3A_586, %mul3A_634 : i32
        %get3A_636 = arith.constant 1 : i32
        %get3A_637 = arith.constant 3 : i32
        %get3A_638 = arith.index_cast %get3A_636 : i32 to index
        %get3A_639 = arith.index_cast %get3A_637 : i32 to index
        %get3A_640 = arith.index_cast %mul3A_635 : i32 to index
        %get3A_641 = tpu.vector_load %arg6[%get3A_638, %get3A_639, %get3A_640] {strides = array<i32>} : memref<2x8x3584xf32, #tpu.memory_space<vmem>>, vector<1x1x16xf32>,
        %get3A_642 = vector.shape_cast %get3A_641 : vector<1x1x16xf32> to vector<16xf32>
        %mul3A_643 = arith.mulf %get3A_642, %get3A_600 : vector<16xf32>
        %add3A_644 = arith.addf %scan3A_590, %mul3A_643 : vector<16xf32>
        %mul3A_645 = arith.constant 16 : i32
        %mul3A_646 = arith.muli %scan3A_586, %mul3A_645 : i32
        %get3A_647 = arith.constant 1 : i32
        %get3A_648 = arith.constant 4 : i32
        %get3A_649 = arith.index_cast %get3A_647 : i32 to index
        %get3A_650 = arith.index_cast %get3A_648 : i32 to index
        %get3A_651 = arith.index_cast %mul3A_646 : i32 to index
        %get3A_652 = tpu.vector_load %arg6[%get3A_649, %get3A_650, %get3A_651] {strides = array<i32>} : memref<2x8x3584xf32, #tpu.memory_space<vmem>>, vector<1x1x16xf32>,
        %get3A_653 = vector.shape_cast %get3A_652 : vector<1x1x16xf32> to vector<16xf32>
        %mul3A_654 = arith.mulf %get3A_653, %get3A_600 : vector<16xf32>
        %add3A_655 = arith.addf %scan3A_591, %mul3A_654 : vector<16xf32>
        %mul3A_656 = arith.constant 16 : i32
        %mul3A_657 = arith.muli %scan3A_586, %mul3A_656 : i32
        %get3A_658 = arith.constant 1 : i32
        %get3A_659 = arith.constant 5 : i32
        %get3A_660 = arith.index_cast %get3A_658 : i32 to index
        %get3A_661 = arith.index_cast %get3A_659 : i32 to index
        %get3A_662 = arith.index_cast %mul3A_657 : i32 to index
        %get3A_663 = tpu.vector_load %arg6[%get3A_660, %get3A_661, %get3A_662] {strides = array<i32>} : memref<2x8x3584xf32, #tpu.memory_space<vmem>>, vector<1x1x16xf32>,
        %get3A_664 = vector.shape_cast %get3A_663 : vector<1x1x16xf32> to vector<16xf32>
        %mul3A_665 = arith.mulf %get3A_664, %get3A_600 : vector<16xf32>
        %add3A_666 = arith.addf %scan3A_592, %mul3A_665 : vector<16xf32>
        %mul3A_667 = arith.constant 16 : i32
        %mul3A_668 = arith.muli %scan3A_586, %mul3A_667 : i32
        %get3A_669 = arith.constant 1 : i32
        %get3A_670 = arith.constant 6 : i32
        %get3A_671 = arith.index_cast %get3A_669 : i32 to index
        %get3A_672 = arith.index_cast %get3A_670 : i32 to index
        %get3A_673 = arith.index_cast %mul3A_668 : i32 to index
        %get3A_674 = tpu.vector_load %arg6[%get3A_671, %get3A_672, %get3A_673] {strides = array<i32>} : memref<2x8x3584xf32, #tpu.memory_space<vmem>>, vector<1x1x16xf32>,
        %get3A_675 = vector.shape_cast %get3A_674 : vector<1x1x16xf32> to vector<16xf32>
        %mul3A_676 = arith.mulf %get3A_675, %get3A_600 : vector<16xf32>
        %add3A_677 = arith.addf %scan3A_593, %mul3A_676 : vector<16xf32>
        %mul3A_678 = arith.constant 16 : i32
        %mul3A_679 = arith.muli %scan3A_586, %mul3A_678 : i32
        %get3A_680 = arith.constant 1 : i32
        %get3A_681 = arith.constant 7 : i32
        %get3A_682 = arith.index_cast %get3A_680 : i32 to index
        %get3A_683 = arith.index_cast %get3A_681 : i32 to index
        %get3A_684 = arith.index_cast %mul3A_679 : i32 to index
        %get3A_685 = tpu.vector_load %arg6[%get3A_682, %get3A_683, %get3A_684] {strides = array<i32>} : memref<2x8x3584xf32, #tpu.memory_space<vmem>>, vector<1x1x16xf32>,
        %get3A_686 = vector.shape_cast %get3A_685 : vector<1x1x16xf32> to vector<16xf32>
        %mul3A_687 = arith.mulf %get3A_686, %get3A_600 : vector<16xf32>
        %add3A_688 = arith.addf %scan3A_594, %mul3A_687 : vector<16xf32>
        scf.yield %add3A_611, %add3A_622, %add3A_633, %add3A_644, %add3A_655, %add3A_666, %add3A_677, %add3A_688 : vector<16xf32>, vector<16xf32>, vector<16xf32>, vector<16xf32>, vector<16xf32>, vector<16xf32>, vector<16xf32>, vector<16xf32>
      }
      %scan3A_471 = arith.constant 224 : i32
      %mul3A_472 = arith.constant 8 : i32
      %mul3A_473 = arith.muli %select_n3A_444, %mul3A_472 : i32
      %add3A_474 = arith.constant 0 : i32
      %add3A_475 = arith.addi %mul3A_473, %add3A_474 : i32
      %get3A_476 = arith.index_cast %add3A_475 : i32 to index
      %get3A_477 = arith.constant 0 : index
      %get3A_478 = tpu.vector_load %arg8[%get3A_476, %get3A_477] {strides = array<i32>} : memref<96x16xf32, #tpu.memory_space<vmem>>, vector<1x16xf32>,
      %get3A_479 = vector.shape_cast %get3A_478 : vector<1x16xf32> to vector<16xf32>
      %add3A_480 = arith.addf %get3A_479, %scan3A_470#0 : vector<16xf32>
      %add3A_481 = arith.constant 0 : i32
      %add3A_482 = arith.addi %mul3A_473, %add3A_481 : i32
      %swap3A_483 = arith.index_cast %add3A_482 : i32 to index
      %swap3A_484 = arith.constant 0 : index
      %swap3A_485 = tpu.vector_load %arg8[%swap3A_483, %swap3A_484] {strides = array<i32>} : memref<96x16xf32, #tpu.memory_space<vmem>>, vector<1x16xf32>,
      %swap3A_486 = vector.shape_cast %swap3A_485 : vector<1x16xf32> to vector<16xf32>
      %swap3A_487 = vector.shape_cast %add3A_480 : vector<16xf32> to vector<1x16xf32>
      tpu.vector_store %arg8[%swap3A_483, %swap3A_484], %swap3A_487 {strides = array<i32>} : memref<96x16xf32, #tpu.memory_space<vmem>>, vector<1x16xf32>,
      %add3A_488 = arith.constant 1 : i32
      %add3A_489 = arith.addi %mul3A_473, %add3A_488 : i32
      %get3A_490 = arith.index_cast %add3A_489 : i32 to index
      %get3A_491 = arith.constant 0 : index
      %get3A_492 = tpu.vector_load %arg8[%get3A_490, %get3A_491] {strides = array<i32>} : memref<96x16xf32, #tpu.memory_space<vmem>>, vector<1x16xf32>,
      %get3A_493 = vector.shape_cast %get3A_492 : vector<1x16xf32> to vector<16xf32>
      %add3A_494 = arith.addf %get3A_493, %scan3A_470#1 : vector<16xf32>
      %add3A_495 = arith.constant 1 : i32
      %add3A_496 = arith.addi %mul3A_473, %add3A_495 : i32
      %swap3A_497 = arith.index_cast %add3A_496 : i32 to index
      %swap3A_498 = arith.constant 0 : index
      %swap3A_499 = tpu.vector_load %arg8[%swap3A_497, %swap3A_498] {strides = array<i32>} : memref<96x16xf32, #tpu.memory_space<vmem>>, vector<1x16xf32>,
      %swap3A_500 = vector.shape_cast %swap3A_499 : vector<1x16xf32> to vector<16xf32>
      %swap3A_501 = vector.shape_cast %add3A_494 : vector<16xf32> to vector<1x16xf32>
      tpu.vector_store %arg8[%swap3A_497, %swap3A_498], %swap3A_501 {strides = array<i32>} : memref<96x16xf32, #tpu.memory_space<vmem>>, vector<1x16xf32>,
      %add3A_502 = arith.constant 2 : i32
      %add3A_503 = arith.addi %mul3A_473, %add3A_502 : i32
      %get3A_504 = arith.index_cast %add3A_503 : i32 to index
      %get3A_505 = arith.constant 0 : index
      %get3A_506 = tpu.vector_load %arg8[%get3A_504, %get3A_505] {strides = array<i32>} : memref<96x16xf32, #tpu.memory_space<vmem>>, vector<1x16xf32>,
      %get3A_507 = vector.shape_cast %get3A_506 : vector<1x16xf32> to vector<16xf32>
      %add3A_508 = arith.addf %get3A_507, %scan3A_470#2 : vector<16xf32>
      %add3A_509 = arith.constant 2 : i32
      %add3A_510 = arith.addi %mul3A_473, %add3A_509 : i32
      %swap3A_511 = arith.index_cast %add3A_510 : i32 to index
      %swap3A_512 = arith.constant 0 : index
      %swap3A_513 = tpu.vector_load %arg8[%swap3A_511, %swap3A_512] {strides = array<i32>} : memref<96x16xf32, #tpu.memory_space<vmem>>, vector<1x16xf32>,
      %swap3A_514 = vector.shape_cast %swap3A_513 : vector<1x16xf32> to vector<16xf32>
      %swap3A_515 = vector.shape_cast %add3A_508 : vector<16xf32> to vector<1x16xf32>
      tpu.vector_store %arg8[%swap3A_511, %swap3A_512], %swap3A_515 {strides = array<i32>} : memref<96x16xf32, #tpu.memory_space<vmem>>, vector<1x16xf32>,
      %add3A_516 = arith.constant 3 : i32
      %add3A_517 = arith.addi %mul3A_473, %add3A_516 : i32
      %get3A_518 = arith.index_cast %add3A_517 : i32 to index
      %get3A_519 = arith.constant 0 : index
      %get3A_520 = tpu.vector_load %arg8[%get3A_518, %get3A_519] {strides = array<i32>} : memref<96x16xf32, #tpu.memory_space<vmem>>, vector<1x16xf32>,
      %get3A_521 = vector.shape_cast %get3A_520 : vector<1x16xf32> to vector<16xf32>
      %add3A_522 = arith.addf %get3A_521, %scan3A_470#3 : vector<16xf32>
      %add3A_523 = arith.constant 3 : i32
      %add3A_524 = arith.addi %mul3A_473, %add3A_523 : i32
      %swap3A_525 = arith.index_cast %add3A_524 : i32 to index
      %swap3A_526 = arith.constant 0 : index
      %swap3A_527 = tpu.vector_load %arg8[%swap3A_525, %swap3A_526] {strides = array<i32>} : memref<96x16xf32, #tpu.memory_space<vmem>>, vector<1x16xf32>,
      %swap3A_528 = vector.shape_cast %swap3A_527 : vector<1x16xf32> to vector<16xf32>
      %swap3A_529 = vector.shape_cast %add3A_522 : vector<16xf32> to vector<1x16xf32>
      tpu.vector_store %arg8[%swap3A_525, %swap3A_526], %swap3A_529 {strides = array<i32>} : memref<96x16xf32, #tpu.memory_space<vmem>>, vector<1x16xf32>,
      %add3A_530 = arith.constant 4 : i32
      %add3A_531 = arith.addi %mul3A_473, %add3A_530 : i32
      %get3A_532 = arith.index_cast %add3A_531 : i32 to index
      %get3A_533 = arith.constant 0 : index
      %get3A_534 = tpu.vector_load %arg8[%get3A_532, %get3A_533] {strides = array<i32>} : memref<96x16xf32, #tpu.memory_space<vmem>>, vector<1x16xf32>,
      %get3A_535 = vector.shape_cast %get3A_534 : vector<1x16xf32> to vector<16xf32>
      %add3A_536 = arith.addf %get3A_535, %scan3A_470#4 : vector<16xf32>
      %add3A_537 = arith.constant 4 : i32
      %add3A_538 = arith.addi %mul3A_473, %add3A_537 : i32
      %swap3A_539 = arith.index_cast %add3A_538 : i32 to index
      %swap3A_540 = arith.constant 0 : index
      %swap3A_541 = tpu.vector_load %arg8[%swap3A_539, %swap3A_540] {strides = array<i32>} : memref<96x16xf32, #tpu.memory_space<vmem>>, vector<1x16xf32>,
      %swap3A_542 = vector.shape_cast %swap3A_541 : vector<1x16xf32> to vector<16xf32>
      %swap3A_543 = vector.shape_cast %add3A_536 : vector<16xf32> to vector<1x16xf32>
      tpu.vector_store %arg8[%swap3A_539, %swap3A_540], %swap3A_543 {strides = array<i32>} : memref<96x16xf32, #tpu.memory_space<vmem>>, vector<1x16xf32>,
      %add3A_544 = arith.constant 5 : i32
      %add3A_545 = arith.addi %mul3A_473, %add3A_544 : i32
      %get3A_546 = arith.index_cast %add3A_545 : i32 to index
      %get3A_547 = arith.constant 0 : index
      %get3A_548 = tpu.vector_load %arg8[%get3A_546, %get3A_547] {strides = array<i32>} : memref<96x16xf32, #tpu.memory_space<vmem>>, vector<1x16xf32>,
      %get3A_549 = vector.shape_cast %get3A_548 : vector<1x16xf32> to vector<16xf32>
      %add3A_550 = arith.addf %get3A_549, %scan3A_470#5 : vector<16xf32>
      %add3A_551 = arith.constant 5 : i32
      %add3A_552 = arith.addi %mul3A_473, %add3A_551 : i32
      %swap3A_553 = arith.index_cast %add3A_552 : i32 to index
      %swap3A_554 = arith.constant 0 : index
      %swap3A_555 = tpu.vector_load %arg8[%swap3A_553, %swap3A_554] {strides = array<i32>} : memref<96x16xf32, #tpu.memory_space<vmem>>, vector<1x16xf32>,
      %swap3A_556 = vector.shape_cast %swap3A_555 : vector<1x16xf32> to vector<16xf32>
      %swap3A_557 = vector.shape_cast %add3A_550 : vector<16xf32> to vector<1x16xf32>
      tpu.vector_store %arg8[%swap3A_553, %swap3A_554], %swap3A_557 {strides = array<i32>} : memref<96x16xf32, #tpu.memory_space<vmem>>, vector<1x16xf32>,
      %add3A_558 = arith.constant 6 : i32
      %add3A_559 = arith.addi %mul3A_473, %add3A_558 : i32
      %get3A_560 = arith.index_cast %add3A_559 : i32 to index
      %get3A_561 = arith.constant 0 : index
      %get3A_562 = tpu.vector_load %arg8[%get3A_560, %get3A_561] {strides = array<i32>} : memref<96x16xf32, #tpu.memory_space<vmem>>, vector<1x16xf32>,
      %get3A_563 = vector.shape_cast %get3A_562 : vector<1x16xf32> to vector<16xf32>
      %add3A_564 = arith.addf %get3A_563, %scan3A_470#6 : vector<16xf32>
      %add3A_565 = arith.constant 6 : i32
      %add3A_566 = arith.addi %mul3A_473, %add3A_565 : i32
      %swap3A_567 = arith.index_cast %add3A_566 : i32 to index
      %swap3A_568 = arith.constant 0 : index
      %swap3A_569 = tpu.vector_load %arg8[%swap3A_567, %swap3A_568] {strides = array<i32>} : memref<96x16xf32, #tpu.memory_space<vmem>>, vector<1x16xf32>,
      %swap3A_570 = vector.shape_cast %swap3A_569 : vector<1x16xf32> to vector<16xf32>
      %swap3A_571 = vector.shape_cast %add3A_564 : vector<16xf32> to vector<1x16xf32>
      tpu.vector_store %arg8[%swap3A_567, %swap3A_568], %swap3A_571 {strides = array<i32>} : memref<96x16xf32, #tpu.memory_space<vmem>>, vector<1x16xf32>,
      %add3A_572 = arith.constant 7 : i32
      %add3A_573 = arith.addi %mul3A_473, %add3A_572 : i32
      %get3A_574 = arith.index_cast %add3A_573 : i32 to index
      %get3A_575 = arith.constant 0 : index
      %get3A_576 = tpu.vector_load %arg8[%get3A_574, %get3A_575] {strides = array<i32>} : memref<96x16xf32, #tpu.memory_space<vmem>>, vector<1x16xf32>,
      %get3A_577 = vector.shape_cast %get3A_576 : vector<1x16xf32> to vector<16xf32>
      %add3A_578 = arith.addf %get3A_577, %scan3A_470#7 : vector<16xf32>
      %add3A_579 = arith.constant 7 : i32
      %add3A_580 = arith.addi %mul3A_473, %add3A_579 : i32
      %swap3A_581 = arith.index_cast %add3A_580 : i32 to index
      %swap3A_582 = arith.constant 0 : index
      %swap3A_583 = tpu.vector_load %arg8[%swap3A_581, %swap3A_582] {strides = array<i32>} : memref<96x16xf32, #tpu.memory_space<vmem>>, vector<1x16xf32>,
      %swap3A_584 = vector.shape_cast %swap3A_583 : vector<1x16xf32> to vector<16xf32>
      %swap3A_585 = vector.shape_cast %add3A_578 : vector<16xf32> to vector<1x16xf32>
      tpu.vector_store %arg8[%swap3A_581, %swap3A_582], %swap3A_585 {strides = array<i32>} : memref<96x16xf32, #tpu.memory_space<vmem>>, vector<1x16xf32>,
    }
    %scan3A_89 = arith.constant 84 : i32
    "tpu.region"() ({
      %run_scoped3A = tpu.sem_alloc : memref<!tpu.dma_semaphore, #tpu.memory_space<semaphore_mem>>
      %dma_start3A_109 = arith.constant 0 : i32
      %dma_start3A_110 = tpu.memref_slice %arg4[%select_n3A, %mul3A_32, %dma_start3A_109] : memref<8x384x16xf32, #tpu.memory_space<hbm>> -> memref<1x96x16xf32, #tpu.memory_space<hbm>>
      %dma_start3A_111 = tpu.memref_squeeze %dma_start3A_110 : memref<1x96x16xf32, #tpu.memory_space<hbm>> -> memref<96x16xf32, #tpu.memory_space<hbm>>
      %dma_start3A_112 = arith.constant 0 : i32
      %dma_start3A_113 = tpu.memref_slice %arg4[%select_n3A, %mul3A_32, %dma_start3A_112] : memref<8x384x16xf32, #tpu.memory_space<hbm>> -> memref<1x96x16xf32, #tpu.memory_space<hbm>>
      %dma_start3A_114 = tpu.memref_squeeze %dma_start3A_113 : memref<1x96x16xf32, #tpu.memory_space<hbm>> -> memref<96x16xf32, #tpu.memory_space<hbm>>
      tpu.enqueue_dma source(%arg8 : memref<96x16xf32, #tpu.memory_space<vmem>>) target(%dma_start3A_114 : memref<96x16xf32, #tpu.memory_space<hbm>>) target_semaphore(%run_scoped3A : memref<!tpu.dma_semaphore, #tpu.memory_space<semaphore_mem>>)
      %dma_wait3A = arith.constant 0 : i32
      %dma_wait3A_115 = tpu.memref_slice %arg4[%select_n3A, %mul3A_32, %dma_wait3A] : memref<8x384x16xf32, #tpu.memory_space<hbm>> -> memref<1x96x16xf32, #tpu.memory_space<hbm>>
      %dma_wait3A_116 = tpu.memref_squeeze %dma_wait3A_115 : memref<1x96x16xf32, #tpu.memory_space<hbm>> -> memref<96x16xf32, #tpu.memory_space<hbm>>
      %dma_wait3A_117 = arith.constant 0 : i32
      %dma_wait3A_118 = tpu.memref_slice %arg4[%select_n3A, %mul3A_32, %dma_wait3A_117] : memref<8x384x16xf32, #tpu.memory_space<hbm>> -> memref<1x96x16xf32, #tpu.memory_space<hbm>>
      %dma_wait3A_119 = tpu.memref_squeeze %dma_wait3A_118 : memref<1x96x16xf32, #tpu.memory_space<hbm>> -> memref<96x16xf32, #tpu.memory_space<hbm>>
      tpu.wait_dma2 semaphore(%run_scoped3A : memref<!tpu.dma_semaphore, #tpu.memory_space<semaphore_mem>>) src(%arg8 : memref<96x16xf32, #tpu.memory_space<vmem>>) dst(%dma_wait3A_119 : memref<96x16xf32, #tpu.memory_space<hbm>>)
      tpu.yield
    }) : () -> ()
    %jit3A_90 = arith.constant 4 : i32
    %eq3A_91 = arith.constant 0 : i32
    %eq3A_92 = arith.cmpi eq, %jit3A_90, %eq3A_91 : i32
    %jit3A_93 = arith.constant 1 : i32
    %select_n3A_94 = arith.select %eq3A_92, %jit3A_93, %jit3A_90 : i32
    %rem3A_95 = arith.remsi %add3A, %select_n3A_94 : i32
    %ne3A_96 = arith.constant 0 : i32
    %ne3A_97 = arith.cmpi ne, %rem3A_95, %ne3A_96 : i32
    %lt3A_98 = arith.constant 0 : i32
    %lt3A_99 = arith.cmpi slt, %rem3A_95, %lt3A_98 : i32
    %lt3A_100 = arith.constant 0 : i32
    %lt3A_101 = arith.cmpi slt, %select_n3A_94, %lt3A_100 : i32
    %ne3A_102 = arith.xori %lt3A_99, %lt3A_101 : i1
    %and3A_103 = arith.andi %ne3A_102, %ne3A_97 : i1
    %add3A_104 = arith.addi %rem3A_95, %select_n3A_94 : i32
    %select_n3A_105 = arith.select %and3A_103, %add3A_104, %rem3A_95 : i32
    %eq3A_106 = arith.constant 0 : i32
    %eq3A_107 = arith.cmpi eq, %select_n3A_105, %eq3A_106 : i32
    %convert_element_type3A = arith.extui %eq3A_107 : i1 to i32
    %cond3A = arith.constant 0 : i32
    %cond3A_108 = arith.cmpi ne, %convert_element_type3A, %cond3A : i32
    scf.if %cond3A_108 {
      %broadcast_in_dim3A = arith.constant 0.000000e+00 : f32
      %broadcast_in_dim3A_109 = vector.broadcast %broadcast_in_dim3A : f32 to vector<16xf32>
      %scan3A_110 = arith.constant 0 : i32
      %scan3A_111 = arith.constant 3136 : i32
      %scan3A_112 = arith.addi %scan3A_110, %scan3A_111 : i32
      %scan3A_113 = arith.constant 1 : i32
      %scan3A_114 = scf.for %scan3A_119 = %scan3A_110 to %scan3A_112 step %scan3A_113 iter_args(%scan3A_120 = %broadcast_in_dim3A_109) -> (vector<16xf32>)  : i32 {
        %mul3A_121 = arith.constant 16 : i32
        %mul3A_122 = arith.muli %scan3A_119, %mul3A_121 : i32
        %get3A = arith.index_cast %mul3A_122 : i32 to index
        %get3A_123 = tpu.vector_load %arg7[%get3A] {strides = array<i32>} : memref<50176xf32, #tpu.memory_space<vmem>>, vector<16xf32>,
        %get3A_124 = vector.shape_cast %get3A_123 : vector<16xf32> to vector<16xf32>
        %add3A_125 = arith.addf %scan3A_120, %get3A_124 : vector<16xf32>
        scf.yield %add3A_125 : vector<16xf32>
      }
      %scan3A_115 = arith.constant 3136 : i32
      %swap3A = arith.constant 0 : index
      %swap3A_116 = tpu.vector_load %arg9[%swap3A] {strides = array<i32>} : memref<16xf32, #tpu.memory_space<vmem>>, vector<16xf32>,
      %swap3A_117 = vector.shape_cast %swap3A_116 : vector<16xf32> to vector<16xf32>
      %swap3A_118 = vector.shape_cast %scan3A_114 : vector<16xf32> to vector<16xf32>
      tpu.vector_store %arg9[%swap3A], %swap3A_118 {strides = array<i32>} : memref<16xf32, #tpu.memory_space<vmem>>, vector<16xf32>,
      "tpu.region"() ({
        %run_scoped3A = tpu.sem_alloc : memref<!tpu.dma_semaphore, #tpu.memory_space<semaphore_mem>>
        %dma_start3A_119 = arith.constant 0 : i32
        %dma_start3A_120 = tpu.memref_slice %arg5[%select_n3A, %dma_start3A_119] : memref<8x16xf32, #tpu.memory_space<hbm>> -> memref<1x16xf32, #tpu.memory_space<hbm>>
        %dma_start3A_121 = tpu.memref_squeeze %dma_start3A_120 : memref<1x16xf32, #tpu.memory_space<hbm>> -> memref<16xf32, #tpu.memory_space<hbm>>
        %dma_start3A_122 = arith.constant 0 : i32
        %dma_start3A_123 = tpu.memref_slice %arg5[%select_n3A, %dma_start3A_122] : memref<8x16xf32, #tpu.memory_space<hbm>> -> memref<1x16xf32, #tpu.memory_space<hbm>>
        %dma_start3A_124 = tpu.memref_squeeze %dma_start3A_123 : memref<1x16xf32, #tpu.memory_space<hbm>> -> memref<16xf32, #tpu.memory_space<hbm>>
        tpu.enqueue_dma source(%arg9 : memref<16xf32, #tpu.memory_space<vmem>>) target(%dma_start3A_124 : memref<16xf32, #tpu.memory_space<hbm>>) target_semaphore(%run_scoped3A : memref<!tpu.dma_semaphore, #tpu.memory_space<semaphore_mem>>)
        %dma_wait3A = arith.constant 0 : i32
        %dma_wait3A_125 = tpu.memref_slice %arg5[%select_n3A, %dma_wait3A] : memref<8x16xf32, #tpu.memory_space<hbm>> -> memref<1x16xf32, #tpu.memory_space<hbm>>
        %dma_wait3A_126 = tpu.memref_squeeze %dma_wait3A_125 : memref<1x16xf32, #tpu.memory_space<hbm>> -> memref<16xf32, #tpu.memory_space<hbm>>
        %dma_wait3A_127 = arith.constant 0 : i32
        %dma_wait3A_128 = tpu.memref_slice %arg5[%select_n3A, %dma_wait3A_127] : memref<8x16xf32, #tpu.memory_space<hbm>> -> memref<1x16xf32, #tpu.memory_space<hbm>>
        %dma_wait3A_129 = tpu.memref_squeeze %dma_wait3A_128 : memref<1x16xf32, #tpu.memory_space<hbm>> -> memref<16xf32, #tpu.memory_space<hbm>>
        tpu.wait_dma2 semaphore(%run_scoped3A : memref<!tpu.dma_semaphore, #tpu.memory_space<semaphore_mem>>) src(%arg9 : memref<16xf32, #tpu.memory_space<vmem>>) dst(%dma_wait3A_129 : memref<16xf32, #tpu.memory_space<hbm>>)
        tpu.yield
      }) : () -> ()
    } else {
    }
    return
  }
}

module attributes {stable_mosaic.version = 14 : i64} {
  func.func @_lambda_(%arg0: memref<8x384x16xf32, #tpu.memory_space<vmem>>, %arg1: memref<8x16xf32, #tpu.memory_space<vmem>>, %arg2: memref<384x384xf32, #tpu.memory_space<vmem>>, %arg3: memref<1x384xf32, #tpu.memory_space<vmem>>, %arg4: memref<8x1536xi32, #tpu.memory_space<vmem>>, %arg5: memref<1x1xf32, #tpu.memory_space<vmem>>) attributes {dimension_semantics = [], scalar_prefetch = 0 : i64, scratch_operands = 0 : i64, tpu.core_type = #tpu.core_type<tc>} {
    %get3A = arith.constant 0 : index
    %get3A_0 = arith.constant 0 : index
    %get3A_1 = arith.constant 0 : index
    %get3A_2 = vector.load %arg0[%get3A, %get3A_0, %get3A_1] : memref<8x384x16xf32, #tpu.memory_space<vmem>>, vector<8x384x16xf32>
    %reduce_sum3A = arith.constant dense<0.000000e+00> : vector<8x384xf32>
    %reduce_sum3A_3 = vector.multi_reduction <add>, %get3A_2, %reduce_sum3A [2] : vector<8x384x16xf32> to vector<8x384xf32>
    %div3A = arith.constant 5.017600e+04 : f32
    %div3A_4 = vector.broadcast %div3A : f32 to vector<8x384xf32>
    %div3A_5 = arith.divf %reduce_sum3A_3, %div3A_4 : vector<8x384xf32>
    %get3A_6 = arith.constant 0 : index
    %get3A_7 = arith.constant 0 : index
    %get3A_8 = vector.load %arg1[%get3A_6, %get3A_7] : memref<8x16xf32, #tpu.memory_space<vmem>>, vector<8x16xf32>
    %reduce_sum3A_9 = arith.constant dense<0.000000e+00> : vector<8xf32>
    %reduce_sum3A_10 = vector.multi_reduction <add>, %get3A_8, %reduce_sum3A_9 [1] : vector<8x16xf32> to vector<8xf32>
    %broadcast_in_dim3A = vector.shape_cast %reduce_sum3A_10 : vector<8xf32> to vector<8x1xf32>
    %add3A = arith.constant 9.99999974E-5 : f32
    %add3A_11 = vector.broadcast %add3A : f32 to vector<8x1xf32>
    %add3A_12 = arith.addf %broadcast_in_dim3A, %add3A_11 : vector<8x1xf32>
    %mul3A = arith.constant 5.017600e+04 : f32
    %mul3A_13 = vector.broadcast %mul3A : f32 to vector<8x384xf32>
    %mul3A_14 = arith.mulf %div3A_5, %mul3A_13 : vector<8x384xf32>
    %div3A_15 = vector.broadcast %add3A_12 : vector<8x1xf32> to vector<8x384xf32>
    %div3A_16 = arith.divf %mul3A_14, %div3A_15 : vector<8x384xf32>
    %get3A_17 = arith.constant 0 : index
    %get3A_18 = arith.constant 0 : index
    %get3A_19 = vector.load %arg2[%get3A_17, %get3A_18] : memref<384x384xf32, #tpu.memory_space<vmem>>, vector<384x384xf32>
    %dot_general3A = arith.constant dense<0.000000e+00> : vector<8x384xf32>
    %dot_general3A_20 = tpu.matmul %div3A_16, %get3A_19, %dot_general3A {dimension_numbers = #tpu.dot_dimension_numbers<[1], [0], [0], [1], [0, 0, 1, 1], [], []>, transpose_lhs_hint = false} : vector<8x384xf32>, vector<384x384xf32>, vector<8x384xf32> -> vector<8x384xf32>
    %get3A_21 = arith.constant 0 : index
    %get3A_22 = arith.constant 0 : index
    %get3A_23 = vector.load %arg3[%get3A_21, %get3A_22] : memref<1x384xf32, #tpu.memory_space<vmem>>, vector<1x384xf32>
    %add3A_24 = vector.broadcast %get3A_23 : vector<1x384xf32> to vector<8x384xf32>
    %add3A_25 = arith.addf %dot_general3A_20, %add3A_24 : vector<8x384xf32>
    %logistic3A = arith.negf %add3A_25 : vector<8x384xf32>
    %logistic3A_26 = math.exp %logistic3A : vector<8x384xf32>
    %logistic3A_27 = arith.constant 1.000000e+00 : f32
    %logistic3A_28 = vector.broadcast %logistic3A_27 : f32 to vector<8x384xf32>
    %logistic3A_29 = arith.addf %logistic3A_28, %logistic3A_26 : vector<8x384xf32>
    %logistic3A_30 = arith.divf %logistic3A_28, %logistic3A_29 : vector<8x384xf32>
    %reduce_sum3A_31 = arith.constant dense<0.000000e+00> : vector<8xf32>
    %reduce_sum3A_32 = vector.multi_reduction <add>, %logistic3A_30, %reduce_sum3A_31 [1] : vector<8x384xf32> to vector<8xf32>
    %reduce_sum3A_33 = vector.shape_cast %reduce_sum3A_32 : vector<8xf32> to vector<1x8xf32>
    %reduce_sum3A_34 = arith.constant dense<0.000000e+00> : vector<1xf32>
    %reduce_sum3A_35 = vector.multi_reduction <add>, %reduce_sum3A_33, %reduce_sum3A_34 [1] : vector<1x8xf32> to vector<1xf32>
    %reduce_sum3A_36 = vector.shape_cast %reduce_sum3A_35 : vector<1xf32> to vector<1x1xf32>
    %reduce_sum3A_37 = vector.extract %reduce_sum3A_36[0, 0] : f32 from vector<1x1xf32>
    %div3A_38 = arith.constant 8.000000e+00 : f32
    %div3A_39 = arith.divf %reduce_sum3A_37, %div3A_38 : f32
    %broadcast_in_dim3A_40 = vector.broadcast %div3A_39 : f32 to vector<1x1xf32>
    %swap3A = arith.constant 0 : index
    %swap3A_41 = arith.constant 0 : index
    %swap3A_42 = vector.load %arg5[%swap3A, %swap3A_41] : memref<1x1xf32, #tpu.memory_space<vmem>>, vector<1x1xf32>
    tpu.vector_store %arg5[%swap3A, %swap3A_41], %broadcast_in_dim3A_40 {strides = array<i32>} : memref<1x1xf32, #tpu.memory_space<vmem>>, vector<1x1xf32>,
    %broadcast_in_dim3A_43 = vector.shape_cast %logistic3A_30 : vector<8x384xf32> to vector<8x384x1xf32>
    %broadcast_in_dim3A_44 = vector.shape_cast %logistic3A_30 : vector<8x384xf32> to vector<8x1x384xf32>
    %iota3A = tpu.iota {dimensions = array<i32: 1>} : vector<8x384x384xi32>
    %iota3A_45 = tpu.iota {dimensions = array<i32: 2>} : vector<8x384x384xi32>
    %lt3A = vector.broadcast %broadcast_in_dim3A_44 : vector<8x1x384xf32> to vector<8x384x384xf32>
    %lt3A_46 = vector.broadcast %broadcast_in_dim3A_43 : vector<8x384x1xf32> to vector<8x384x384xf32>
    %lt3A_47 = arith.cmpf olt, %lt3A, %lt3A_46 : vector<8x384x384xf32>
    %eq3A = vector.broadcast %broadcast_in_dim3A_44 : vector<8x1x384xf32> to vector<8x384x384xf32>
    %eq3A_48 = vector.broadcast %broadcast_in_dim3A_43 : vector<8x384x1xf32> to vector<8x384x384xf32>
    %eq3A_49 = arith.cmpf oeq, %eq3A, %eq3A_48 : vector<8x384x384xf32>
    %lt3A_50 = arith.cmpi slt, %iota3A_45, %iota3A : vector<8x384x384xi32>
    %and3A = arith.andi %eq3A_49, %lt3A_50 : vector<8x384x384xi1>
    %or3A = arith.ori %lt3A_47, %and3A : vector<8x384x384xi1>
    %convert_element_type3A = arith.extui %or3A : vector<8x384x384xi1> to vector<8x384x384xi32>
    %reduce_sum3A_51 = arith.constant dense<0> : vector<8x384xi32>
    %reduce_sum3A_52 = vector.multi_reduction <add>, %convert_element_type3A, %reduce_sum3A_51 [2] : vector<8x384x384xi32> to vector<8x384xi32>
    %ge3A = arith.constant 192 : i32
    %ge3A_53 = vector.broadcast %ge3A : i32 to vector<8x384xi32>
    %ge3A_54 = arith.cmpi sge, %reduce_sum3A_52, %ge3A_53 : vector<8x384xi32>
    %gt3A = arith.constant 0.000000e+00 : f32
    %gt3A_55 = vector.broadcast %gt3A : f32 to vector<8x384xf32>
    %gt3A_56 = arith.cmpf ogt, %logistic3A_30, %gt3A_55 : vector<8x384xf32>
    %and3A_57 = arith.andi %ge3A_54, %gt3A_56 : vector<8x384xi1>
    %iota3A_58 = tpu.iota {dimensions = array<i32: 0>} : vector<384x1536xi32>
    %iota3A_59 = tpu.iota {dimensions = array<i32: 1>} : vector<384x1536xi32>
    %jit3A = arith.constant 4 : i32
    %div3A_60 = vector.broadcast %jit3A : i32 to vector<384x1536xi32>
    %div3A_61 = arith.divsi %iota3A_59, %div3A_60 : vector<384x1536xi32>
    %sign3A = arith.constant 0 : i32
    %sign3A_62 = vector.broadcast %sign3A : i32 to vector<384x1536xi32>
    %sign3A_63 = arith.cmpi sgt, %iota3A_59, %sign3A_62 : vector<384x1536xi32>
    %sign3A_64 = arith.extui %sign3A_63 : vector<384x1536xi1> to vector<384x1536xi32>
    %sign3A_65 = arith.constant 0 : i32
    %sign3A_66 = vector.broadcast %sign3A_65 : i32 to vector<384x1536xi32>
    %sign3A_67 = arith.cmpi slt, %iota3A_59, %sign3A_66 : vector<384x1536xi32>
    %sign3A_68 = arith.extui %sign3A_67 : vector<384x1536xi1> to vector<384x1536xi32>
    %sign3A_69 = arith.subi %sign3A_64, %sign3A_68 : vector<384x1536xi32>
    %sign3A_70 = arith.constant 0 : i32
    %sign3A_71 = arith.cmpi sgt, %jit3A, %sign3A_70 : i32
    %sign3A_72 = arith.extui %sign3A_71 : i1 to i32
    %sign3A_73 = arith.constant 0 : i32
    %sign3A_74 = arith.cmpi slt, %jit3A, %sign3A_73 : i32
    %sign3A_75 = arith.extui %sign3A_74 : i1 to i32
    %sign3A_76 = arith.subi %sign3A_72, %sign3A_75 : i32
    %ne3A = vector.broadcast %sign3A_76 : i32 to vector<384x1536xi32>
    %ne3A_77 = arith.cmpi ne, %sign3A_69, %ne3A : vector<384x1536xi32>
    %rem3A = vector.broadcast %jit3A : i32 to vector<384x1536xi32>
    %rem3A_78 = arith.remsi %iota3A_59, %rem3A : vector<384x1536xi32>
    %ne3A_79 = arith.constant 0 : i32
    %ne3A_80 = vector.broadcast %ne3A_79 : i32 to vector<384x1536xi32>
    %ne3A_81 = arith.cmpi ne, %rem3A_78, %ne3A_80 : vector<384x1536xi32>
    %and3A_82 = arith.andi %ne3A_77, %ne3A_81 : vector<384x1536xi1>
    %sub3A = arith.constant 1 : i32
    %sub3A_83 = vector.broadcast %sub3A : i32 to vector<384x1536xi32>
    %sub3A_84 = arith.subi %div3A_61, %sub3A_83 : vector<384x1536xi32>
    %select_n3A = arith.select %and3A_82, %sub3A_84, %div3A_61 : vector<384x1536xi1>, vector<384x1536xi32>
    %eq3A_85 = arith.cmpi eq, %iota3A_58, %select_n3A : vector<384x1536xi32>
    %convert_element_type3A_86 = arith.extui %eq3A_85 : vector<384x1536xi1> to vector<384x1536xi32>
    %convert_element_type3A_87 = arith.sitofp %convert_element_type3A_86 : vector<384x1536xi32> to vector<384x1536xf32>
    %convert_element_type3A_88 = arith.extui %and3A_57 : vector<8x384xi1> to vector<8x384xi32>
    %convert_element_type3A_89 = arith.sitofp %convert_element_type3A_88 : vector<8x384xi32> to vector<8x384xf32>
    %dot_general3A_90 = arith.constant dense<0.000000e+00> : vector<8x1536xf32>
    %dot_general3A_91 = tpu.matmul %convert_element_type3A_89, %convert_element_type3A_87, %dot_general3A_90 {dimension_numbers = #tpu.dot_dimension_numbers<[1], [0], [0], [1], [0, 0, 1, 1], [], []>, transpose_lhs_hint = false} : vector<8x384xf32>, vector<384x1536xf32>, vector<8x1536xf32> -> vector<8x1536xf32>
    %convert_element_type3A_92 = arith.fptosi %dot_general3A_91 : vector<8x1536xf32> to vector<8x1536xi32>
    %swap3A_93 = arith.constant 0 : index
    %swap3A_94 = arith.constant 0 : index
    %swap3A_95 = vector.load %arg4[%swap3A_93, %swap3A_94] : memref<8x1536xi32, #tpu.memory_space<vmem>>, vector<8x1536xi32>
    tpu.vector_store %arg4[%swap3A_93, %swap3A_94], %convert_element_type3A_92 {strides = array<i32>} : memref<8x1536xi32, #tpu.memory_space<vmem>>, vector<8x1536xi32>,
    return
  }
}

</mosaic_0001>

<sc_bundles>
// kernel: kernel.4.cloned.1.call-start
scs
__scs_entry_jumppad:
0x0: {  	(pc) =	sbr.rel $0x88, $3  }
0x1: {  	(tag) =	ssettag $0x0;
	lr =	simm.s32 $0x1  }
0x2: {  	[smem:$0x3F9D] =	sst lr;
	_ =	strace $0xD0000000  }
0x3: {  	_ = 	snop  }
0x4: {  	_ = 	snop  }
0x5: {  	_ = 	snop  }
0x6: {  	_ = 	snop  }
0x7: {  	_ = 	snop  }
__scs_overlays_trampoline_lowered:
0x8: {  	[smem:$0x3FAC] =	sst s0  }
0x9: {  	[smem:$0x3FAD] =	sst s1  }
0xa: {  	[smem:$0x3FAE] =	sst s2  }
0xb: {  	[smem:$0x3FAF] =	sst s3  }
0xc: {  	[smem:$0x3FB0] =	sst s4  }
0xd: {  	[smem:$0x3FB1] =	sst s5  }
0xe: {  	[smem:$0x3FB2] =	sst s6  }
0xf: {  	[smem:$0x3FB3] =	sst s7  }
0x10: {  	[smem:$0x3FB4] =	sst s8  }
0x11: {  	[smem:$0x3FB5] =	sst s9;
	s0 =	simm.s32 @!p0 $0x0  }
0x12: {  	s1 =	sld [smem:$0x3F9B];
	s0 =	simm.s32 @p0 $0x1  }
0x13: {  	[smem:$0x3FB6] =	sst s0;
	s0 =	simm.s32 @!p1 $0x0  }
0x14: {  	s2 =	sld [smem:$0x3F9A];
	s0 =	simm.s32 @p1 $0x1  }
0x15: {  	[smem:$0x3FB7] =	sst s0;
	s0 =	simm.s32 @!p2 $0x0  }
0x16: {  	s3 =	sld [smem:$0x3FDB];
	s0 =	simm.s32 @p2 $0x1  }
0x17: {  	s4 =	simm.s32 $0x1BF5;
	[smem:$0x3FB9] =	sst s0  }
0x18: {  	s0 =	sld [smem:$0x3F9C];
	_ =	swait.ge [sflag:s4], $0x0  }
0x19: {  	s7 =	sld [smem:$0x3F9D]  }
0x1a: {  	s8 =	sadd.s32 $0xFFFFE003, lr  }
0x1b: {  	s9 =	sadd.s32 $0xFFFFFEF7, lr;
	s5 =	simm.s32 $0xFFFFFFFF;
	p2 =	slt.u32 s8, $0xFFFFF086  }
0x1c: {  	p1 =	slt.u32 s9, $0xF7A;
	s5 =	simm.s32 @!p2 $0x0  }
0x1d: {  	s5 =	simm.s32 @p1 $0x1;
	p0 =	seq.s32 s7, s2  }
0x1e: {  	s7 =	smul.u32 @!p0 $0xF7A, s2;
	p2 =	seq.s32 @!p0 s5, $0x0  }
0x1f: {  	s9 =	smul.u32 $0xF7A, s1;
	s8 =	simm.s32 @!p0 $0x1BF5;
	p2 =	por !p2, p0  }
0x20: {  	[sflag:s8] =	ssyncset.s32 @!p0 $0xFFFFF086;
	s6 =	sadd.s32 @!p0 s3, s7;
	s7 =	simm.s32 @!p0 $0x108  }
0x21: {  	s3 =	sadd.s32 s3, s9;
	s6 =	sadd.s32 @!p0 $0x88, s6;
	s7 =	simm.s32 @p2 $0x1082  }
0x22: {  	[simem:s7], [sflag:s8] =	dma.local @!p0 [hbm:s6], $0xF7A  }
0x23: {  	s9 =	sor.u32 $0xD0000000, s2;
	s6 =	simm.s32 $0x108;
	_ =	swait.ge @!p0 [sflag:s8], $0x0  }
0x24: {  	s3 =	sadd.s32 $0x88, s3;
	s6 =	simm.s32 @!p1 $0x1082;
	[sflag:s4] =	ssyncset.s32 $0xFFFFF086  }
0x25: {  	[simem:s6], [sflag:s4] =	dma.local [hbm:s3], $0xF7A  }
0x26: {  	[smem:$0x3F9D] =	sst s1;
	(tag) =	ssettag s2;
	_ =	strace s9  }
0x27: {  	s1 =	sld [smem:$0x3FAD]  }
0x28: {  	s2 =	sld [smem:$0x3FAE]  }
0x29: {  	s4 =	sld [smem:$0x3FB0]  }
0x2a: {  	p0 =	seq.s32 s5, $0x0;
	s5 =	sld [smem:$0x3FB1]  }
0x2b: {  	s6 =	sld [smem:$0x3FB2]  }
0x2c: {  	s7 =	sld [smem:$0x3FB3]  }
0x2d: {  	s3 =	simm.s32 $0x108;
	s8 =	sld [smem:$0x3FB4]  }
0x2e: {  	s3 =	simm.s32 @!p0 $0x1082;
	s9 =	sld [smem:$0x3FB5]  }
0x2f: {  	lr =	sadd.s32 s0, s3;
	s0 =	sld [smem:$0x3FAC]  }
0x30: {  	s3 =	sld [smem:$0x3FAF]  }
0x31: {  	[smem:$0x3FB8] =	sst s10  }
0x32: {  	s10 =	sld [smem:$0x3FB6];
	_ =	sdelay $0x3  }
0x33: {  	p0 =	seq.s32 s10, $0x1;
	s10 =	sld [smem:$0x3FB8];
	_ =	sdelay $0x3  }
0x34: {  	[smem:$0x3FB8] =	sst s10  }
0x35: {  	s10 =	sld [smem:$0x3FB7];
	_ =	sdelay $0x3  }
0x36: {  	p1 =	seq.s32 s10, $0x1;
	s10 =	sld [smem:$0x3FB8];
	_ =	sdelay $0x3  }
0x37: {  	[smem:$0x3FB8] =	sst s10  }
0x38: {  	s10 =	sld [smem:$0x3FB9]  }
0x39: {  	_ = 	snop;
	(pc) =	sbr.ind lr, $3  }
0x3a: {  	_ = 	snop  }
0x3b: {  	_ = 	snop  }
0x3c: {  	p2 =	seq.s32 s10, $0x1;
	s10 =	sld [smem:$0x3FB8]  }
0x3d: {  	_ =	shalt  }
0x3e: {  	_ =	shalt  }
0x3f: {  	_ =	shalt  }
0x40: {  	_ =	shalt  }
0x41: {  	_ =	shalt  }
0x42: {  	_ =	shalt  }
0x43: {  	_ =	shalt  }
0x44: {  	_ =	shalt  }
0x45: {  	_ =	shalt  }
0x46: {  	_ =	shalt  }
0x47: {  	_ =	shalt  }
0x48: {  	_ =	shalt  }
0x49: {  	_ =	shalt  }
0x4a: {  	_ =	shalt  }
0x4b: {  	_ =	shalt  }
0x4c: {  	_ =	shalt  }
0x4d: {  	_ =	shalt  }
0x4e: {  	_ =	shalt  }
0x4f: {  	_ =	shalt  }
0x50: {  	_ =	shalt  }
0x51: {  	_ =	shalt  }
0x52: {  	_ =	shalt  }
0x53: {  	_ =	shalt  }
0x54: {  	_ =	shalt  }
0x55: {  	_ =	shalt  }
0x56: {  	_ =	shalt  }
0x57: {  	_ =	shalt  }
0x58: {  	_ =	shalt  }
0x59: {  	_ =	shalt  }
0x5a: {  	_ =	shalt  }
0x5b: {  	_ =	shalt  }
0x5c: {  	_ =	shalt  }
0x5d: {  	_ =	shalt  }
0x5e: {  	_ =	shalt  }
0x5f: {  	_ =	shalt  }
0x60: {  	_ =	shalt  }
0x61: {  	_ =	shalt  }
0x62: {  	_ =	shalt  }
0x63: {  	_ =	shalt  }
0x64: {  	_ =	shalt  }
0x65: {  	_ =	shalt  }
0x66: {  	_ =	shalt  }
0x67: {  	_ =	shalt  }
0x68: {  	_ =	shalt  }
0x69: {  	_ =	shalt  }
0x6a: {  	_ =	shalt  }
0x6b: {  	_ =	shalt  }
0x6c: {  	_ =	shalt  }
0x6d: {  	_ =	shalt  }
0x6e: {  	_ =	shalt  }
0x6f: {  	_ =	shalt  }
0x70: {  	_ =	shalt  }
0x71: {  	_ =	shalt  }
0x72: {  	_ =	shalt  }
0x73: {  	_ =	shalt  }
0x74: {  	_ =	shalt  }
0x75: {  	_ =	shalt  }
0x76: {  	_ =	shalt  }
0x77: {  	_ =	shalt  }
0x78: {  	_ =	shalt  }
0x79: {  	_ =	shalt  }
0x7a: {  	_ =	shalt  }
0x7b: {  	_ =	shalt  }
0x7c: {  	_ =	shalt  }
0x7d: {  	_ =	shalt  }
0x7e: {  	_ =	shalt  }
0x7f: {  	_ =	shalt  }
0x80: {  	_ =	shalt  }
0x81: {  	_ =	shalt  }
0x82: {  	_ =	shalt  }
0x83: {  	_ =	shalt  }
0x84: {  	_ =	shalt  }
0x85: {  	_ =	shalt  }
0x86: {  	_ =	shalt  }
0x87: {  	_ =	shalt  }
.Lfunc_end0:
.L_simem_size_0:
called_computation_lowered:
.L_overlay_start_0:
0x88: {  	s2 =	sld [smem:$0x3FD9]  }
0x89: {  	s3 =	sld [smem:$0x3FFE];
	_ =	sdelay $0x1  }
0x8a: {  	s1 =	srdreg.scid  }
0x8b: {  	s0 =	sand.u32 $0x1, s1  }
0x8c: {  	s14 =	sshll.u32 s0, $0xA;
	s2 =	sadd.s32 s3, s2  }
0x8d: {  	s2 =	sadd.s32 s2, s14  }
0x8e: {  	[smem:$0x3FC4] =	sst s2  }
0x8f: {  	_ = 	snop  }
0x90: {  	s2 =	sld [smem:$0x3FD0];
	_ =	sdelay $0x2  }
0x91: {  	s15 =	simm.s32 $0xA;
	s4 =	simm.s32 $0x10  }
0x92: {  	[smem:s4], [sflag:s15] =	dma.local [hbm:s2], $0x1  }
0x93: {  	_ =	swait.eq [sflag:s15], $0x1  }
0x94: {  	[sflag:s15] =	ssyncset.done $0x0  }
0x95: {  	[sflag:s15] =	ssyncadd.s32 $0xFFFFFFFF  }
0x96: {  	s16 =	sld [smem:$0x10];
	(tm) =	ssettm $0x1  }
0x97: {  	s17 =	sld [smem:$0x3FFB];
	_ =	sdelay $0x3  }
0x98: {  	_ =	strace s17  }
0x99: {  	s3 =	sld [smem:$0x3FFC];
	_ =	sdelay $0x3  }
0x9a: {  	_ =	strace s3  }
0x9b: {  	s3 =	sld [smem:$0x3FFD];
	_ =	sdelay $0x3  }
0x9c: {  	_ =	strace s3  }
0x9d: {  	_ =	strace $0x8FFFFFFF  }
0x9e: {  	s18 =	sld [smem:$0x3FDB];
	_ =	sdelay $0x1  }
0x9f: {  	s19 =	simm.s32 $_scs_section_size  }
0xa0: {  	s5 =	simm.s32 $_size__tile_overlayer_lowered;
	s6 =	simm.s32 $_tile_overlayer_lowered  }
0xa1: {  	s22 =	simm.s32 $0x1BFF;
	s21 =	sshll.u32 s6, $0x1;
	s3 =	sadd.s32 s19, s18  }
0xa2: {  	s7 =	simm.s32 $0x0;
	s20 =	sshll.u32 s5, $0x1;
	s5 =	sadd.s32 s21, s3  }
0xa3: {  	[timem:s7], [sflag:s22] =	dma.local [hbm:s5], s20  }
0xa4: {  	_ =	swait.ge [sflag:s22], s20  }
0xa5: {  	s4 =	ssub.s32 $0x0, s20;
	[sflag:s22] =	ssyncset.done $0x0  }
0xa6: {  	[sflag:s22] =	ssyncadd.s32 s4;
	_ =	sdelay $0x1  }
0xa7: {  	s23 =	simm.s32 $0x1B8B  }
0xa8: {  	_ =	swait.ge [sflag:s23], $0x1  }
0xa9: {  	[sflag:s23] =	ssyncset.done $0x0  }
0xaa: {  	s25 =	simm.s32 $0x1B8E;
	s24 =	sld [smem:$0x3FFE];
	[sflag:s23] =	ssyncadd.s32 $0xFFFFFFFF  }
0xab: {  	s26 =	simm.s32 $execute0_lowered;
	[smem:$0x3FD2] =	sst s25  }
0xac: {  	s5 =	sshll.u32 s26, $0x1;
	_ =	strace $0x80000046;
	[dreg:$0x1] =	wrdreg $0xFFFFFFFF  }
0xad: {  	s28 =	simm.s32 $_size_execute0_lowered;
	s3 =	sadd.s32 s3, s5;
	[dreg:$0x0] =	wrdreg $0x0  }
0xae: {  	s5 =	sshll.u32 s28, $0x1;
	[dreg:$0x2] =	wrdreg s3  }
0xaf: {  	[dreg:$0x3] =	wrdreg s5  }
0xb0: {  	[dreg:$0x4] =	wrdreg $0xC0  }
0xb1: {  	_ =	task [dreg:s7], $0x5FFFF  }
0xb2: {  	[dreg:$0x1] =	wrdreg $0xFFFFFFFF  }
0xb3: {  	[dreg:$0x0] =	wrdreg $0x60  }
0xb4: {  	[dreg:$0x2] =	wrdreg s24  }
0xb5: {  	[dreg:$0x3] =	wrdreg s16  }
0xb6: {  	[dreg:$0x4] =	wrdreg $0x9  }
0xb7: {  	_ =	task.clear_ibuf [dreg:s7], $0x5FFFF;
	_ =	strace $0x90000046  }
0xb8: {  	s29 =	simm.s32 $0x9;
	_ =	strace $0x80000048  }
0xb9: {  	_ =	swait.ge [sflag:s29], $0x1  }
0xba: {  	[sflag:s29] =	ssyncadd.s32 $0xFFFFFFFF  }
0xbb: {  	_ =	strace $0x90000048  }
0xbc: {  	_ =	sfence  }
0xbd: {  	s30 =	sld [smem:$0x0];
	_ =	sdelay $0x2  }
0xbe: {  	s31 =	sshll.u32 s1, $0xD;
	s1 =	sshrl.u32 s1, $0x2  }
0xbf: {  	s3 =	sand.u32 $0x4000, s31;
	s1 =	sadd.s32 s1, s30  }
0xc0: {  	s0 =	sor.u32 s3, s0;
	s1 =	sshll.u32 s1, $0x11  }
0xc1: {  	s0 =	sor.u32 s1, s0  }
0xc2: {  	s0 =	sadd.s32 $0x8F2B, s0  }
0xc3: {  	[sflag:s0] =	ssyncadd.remote.s32 $0x1  }
0xc4: {  	_ =	sfence.sel $0xFFFF  }
0xc5: {  	[dreg:$0x0] =	wrdreg $0xFFFFFFFF;
	(pc) =	sbr.abs _section_cstart, $3  }
0xc6: {  	[dreg:$0x1] =	wrdreg $0xFFFFFFFF  }
0xc7: {  	_ =	task.clear_ibuf [dreg:s7], $0x2FFFF;
	_ =	strace $0x9FFFFFFF  }
0xc8: {  	(tm) =	ssettm $0x7FFFFFFF  }
0xc9: {  	_ =	shalt  }
tec
execute0_lowered:
.L_overlay_start_1:
0x0: {  	(tag) =	ssettag $0x1  }
0x1: {  	s3 =	stileid.u32  }
0x2: {  	s0 =	rddreg [dreg:$0x0];
	s1 =	srdreg.scid  }
0x3: {  	s9 =	rddreg [dreg:$0x1];
	s28 =	simm.s32 $0x0;
	s12 =	simm.s32 $0x400  }
0x4: {  	s13 =	simm.s32 $0xE000;
	s14 =	simm.s32 $0x3;
	s15 =	simm.s32 $0x7000  }
0x5: {  	s16 =	simm.s32 $0x1;
	s17 =	simm.s32 $0x2;
	s18 =	simm.s32 $0x1A400  }
0x6: {  	s20 =	simm.s32 $0x0;
	s21 =	simm.s32 $0x0;
	s4 =	sshrl.u32 s3, $0x1  }
0x7: {  	s2 =	sshll.u32 s3, $0x1;
	s1 =	sand.u32 $0x1, s1;
	s5 =	smul.u32 $0xC000, s4  }
0x8: {  	[smem:$0x7FF] =	sst s28;
	s2 =	sand.u32 $0x2, s2;
	s3 =	smul.u32 $0x1260000, s4  }
0x9: {  	_ =	strace $0x80000047;
	s10 =	sshll.u32 s4, $0x4;
	s2 =	sor.u32 s1, s2  }
0xa: {  	s4 =	sadd.s32 $0x1400, s0;
	s8 =	sadd.s32 s10, s0;
	s6 =	smul.u32 $0x3000, s2  }
0xb: {  	s1 =	ssub.s32 $0x2, s1;
	s31 =	sadd.s32 s9, s10;
	s7 =	smul.u32 $0x498000, s2  }
.Ltmp0:
0xc: {  	s30 =	sshrl.u32 s1, $0x1;
	[dreg:$0x3] =	wrdreg s31;
	(pc) =	sbr.rel .LBB2_1-.Ltmp0, $4  }
0xd: {  	p0 =	sne.s32 s2, $0x0;
	s1 =	ssub.s32 s1, s30;
	s5 =	sadd.s32 s5, s6  }
0xe: {  	s29 =	sadd.s32 s3, s7;
	s7 =	smul.u32 $0xC, s2;
	s5 =	sshrl.u32 s5, $0x3  }
0xf: {  	s10 =	smax.u32 s1, $0x1;
	s6 =	sshrl.u32 s29, $0x3;
	s0 =	sadd.s32 s5, s0  }
0x10: {  	v0 =	vimm.f32 $0.0e+00;
	s5 =	sadd.s32 $0x1261400, s8;
	s6 =	sadd.s32 s4, s6;
	s8 =	sadd.s32 $0x126D800, s0  }
.LBB2_13:
0x11: {  	s20 =	sadd.s32 $0x1, s20  }
0x12: {  	p1 =	sne.s32 s20, s10  }
.Ltmp1:
0x13: {  	_ = 	snop;
	(pc) =	sbr.rel @!p1 .LBB2_14-.Ltmp1, $1  }
0x14: {  	_ =	sdelay $0x3  }
.LBB2_1:
0x15: {  	s0 =	simm.s32 $0x80  }
0x16: {  	[tilespmem:s13], [sflag:$0x3] =	stream.strided.gather [hbm4b:s5+s0], $0xC400, s12, s0, $0x38;
	[tilespmem:$0x1D480] =	vst v63  }
0x17: {  	_ =	swait.ge [sflag:s14], $0xC400  }
0x18: {  	[sflag:s14] =	ssyncset.done $0x0  }
0x19: {  	s1 =	simm.s32 $0x0;
	s0 =	simm.s32 $0x200;
	[sflag:s14] =	ssyncadd.s32 $0xFFFF3C00  }
.LBB2_2:
0x1a: {  	p1 =	sne.s32 s0, $0xBE00;
	[tilespmem:s1+$0x1A400] =	vst v0;
	s1 =	smov.u32 s0;
	s0 =	sadd.s32 $0x200, s0  }
.Ltmp2:
0x1b: {  	(pc) =	sbr.rel @p1 .LBB2_2-.Ltmp2, $2  }
0x1c: {  	_ =	sdelay $0x2  }
0x1d: {  	s1 =	sshra.s32 s1, $0x2  }
0x1e: {  	[tilespmem:s1+$0x1A400] =	vst v0;
	s22 =	simm.s32 $0xE00;
	s23 =	simm.s32 $0x0;
	s24 =	simm.s32 $0x0  }
0x1f: {  	[tilespmem:s21], [sflag:$0x1] =	stream.linear.gather [hbm4b:s6+s21], $0x7000, $0x38;
	[tilespmem:$0x1D480] =	vst v63  }
.LBB2_4:
0x20: {  	s0 =	smul.u32 $0x25, s24;
	_ =	sdelay $0x1  }
0x21: {  	s0 =	sshrl.u32 s0, $0x8  }
0x22: {  	s1 =	ssub.s32 s24, s0  }
0x23: {  	s1 =	sand.u32 $0xFE, s1  }
0x24: {  	s1 =	sshrl.u32 s1, $0x1  }
0x25: {  	s0 =	sadd.s32 s0, s1  }
0x26: {  	s0 =	sand.u32 $0xFC, s0  }
0x27: {  	s25 =	smulhi.u32 $0x24924925, s24;
	s26 =	sshrl.u32 s0, $0x2  }
0x28: {  	s0 =	smul.u32 $0xFFFFFFF2, s26  }
0x29: {  	s28 =	sshll.u32 s24, $0x1  }
0x2a: {  	s9 =	ssub.s32 s24, s25;
	s2 =	sadd.s32 s26, s7;
	s0 =	sadd.s32 s28, s0  }
0x2b: {  	s9 =	sshrl.u32 s9, $0x1;
	s2 =	smul.u32 $0x62000, s2;
	s0 =	sor.u32 $0x1, s0  }
0x2c: {  	s1 =	sadd.s32 s25, s9;
	s0 =	smul.u32 $0x7000, s0  }
0x2d: {  	s1 =	sshrl.u32 s1, $0x2;
	s2 =	sadd.s32 s3, s2  }
0x2e: {  	s1 =	smul.u32 $0xC400, s1;
	s0 =	sadd.s32 s0, s2  }
0x2f: {  	s0 =	sshrl.u32 s0, $0x3  }
0x30: {  	s11 =	sand.u32 $0x7, s21;
	s29 =	ssub.s32 s23, s1;
	s0 =	sadd.s32 s4, s0  }
0x31: {  	[tilespmem:s15], [sflag:$0x2] =	stream.linear.gather [hbm4b:s0+s21], $0x7000, $0x38;
	[tilespmem:$0x1D480] =	vst v63  }
0x32: {  	s25 =	sand.u32 $0x70, s21;
	s19 =	sadd.s32 $0x0, s29;
	_ =	swait.ge [sflag:s16], $0x7000  }
0x33: {  	s2 =	sand.u32 $0xFFFFFF80, s19;
	s0 =	sshll.u32 s11, $0x4;
	[sflag:s16] =	ssyncset.done $0x0  }
0x34: {  	s2 =	sor.u32 s25, s2;
	s0 =	sadd.s32 $0x0, s0;
	[sflag:s16] =	ssyncadd.s32 $0xFFFF9000  }
0x35: {  	s11 =	sand.u32 $0x7C00, s21;
	s0 =	sor.u32 $0x380, s0;
	v1 =	vld [tilespmem:s2+$0xE000]  }
0x36: {  	s30 =	sor.u32 s25, s11;
	v2 =	vld [tilespmem:s0+$0x0]  }
0x37: {  	v13 =	vld [tilespmem:s30+$0x0]  }
0x38: {  	v11 =	vld [tilespmem:s30+$0x80]  }
0x39: {  	v4 =	vimm.f32 $0.0e+00;
	v6 =	vimm.f32 $0.0e+00;
	s31 =	simm.s32 $0x80;
	v8 =	vimm.f32 $0.0e+00;
	s9 =	sadd.s32 $0x10, s29;
	v10 =	vld [tilespmem:s30+$0x100]  }
0x3a: {  	v9 =	vimm.f32 $0.0e+00;
	v5 =	vimm.f32 $0.0e+00;
	v7 =	vimm.f32 $0.0e+00;
	s19 =	simm.s32 $0x10;
	s25 =	ssub.s32 s22, s1;
	s1 =	simm.s32 $0x1;
	v12 =	vld [tilespmem:s30+$0x180]  }
0x3b: {  	v3 =	vimm.f32 $0.0e+00;
	s19 =	sand.u32 $0x70, s19;
	s2 =	sand.u32 $0x7, s1;
	s0 =	simm.s32 $0x20;
	v14 =	vld [tilespmem:s30+$0x200];
	v15 =	vmul.f32 v2, v1;
	v2 =	vimm.f32 $0.0e+00  }
.LBB2_5:
0x3c: {  	p1 =	sne.s32 s0, $0xDF0;
	s2 =	sshll.u32 s2, $0x4;
	s9 =	sand.u32 $0xFFFFFF80, s9;
	v13 =	vmul.f32 v13, v1;
	v16 =	vld [tilespmem:s30+$0x280]  }
0x3d: {  	s11 =	sand.u32 $0x7C00, s31;
	s2 =	sadd.s32 s2, s31;
	s9 =	sor.u32 s19, s9;
	v11 =	vmul.f32 v11, v1;
	v17 =	vld [tilespmem:s30+$0x300];
	v4 =	vadd.f32 v15, v4  }
0x3e: {  	s30 =	sor.u32 s19, s11;
	v15 =	vld [tilespmem:s9+$0xE000];
	s2 =	sor.u32 $0x380, s2;
	v6 =	vadd.f32 v13, v6;
	v10 =	vmul.f32 v10, v1  }
0x3f: {  	v18 =	vld [tilespmem:s2+$0x0];
	v8 =	vadd.f32 v11, v8;
	v12 =	vmul.f32 v12, v1  }
.Ltmp3:
0x40: {  	v13 =	vld [tilespmem:s30+$0x0];
	v9 =	vadd.f32 v10, v9;
	v14 =	vmul.f32 v14, v1;
	(pc) =	sbr.rel @p1 .LBB2_5-.Ltmp3, $4  }
0x41: {  	v11 =	vld [tilespmem:s30+$0x80];
	v5 =	vadd.f32 v12, v5;
	v16 =	vmul.f32 v16, v1  }
0x42: {  	v10 =	vld [tilespmem:s30+$0x100];
	v7 =	vadd.f32 v14, v7;
	v17 =	vmul.f32 v17, v1  }
0x43: {  	s1 =	sadd.s32 $0x1, s1;
	s19 =	sand.u32 $0x70, s0;
	s31 =	sadd.s32 $0x80, s31;
	v12 =	vld [tilespmem:s30+$0x180];
	v3 =	vadd.f32 v16, v3;
	v1 =	vmov v15  }
0x44: {  	s9 =	sadd.s32 s0, s29;
	s0 =	sadd.s32 $0x10, s0;
	s2 =	sand.u32 $0x7, s1;
	v14 =	vld [tilespmem:s30+$0x200];
	v15 =	vmul.f32 v18, v1;
	v2 =	vadd.f32 v17, v2  }
0x45: {  	v16 =	vld [tilespmem:s30+$0x280]  }
0x46: {  	s0 =	sshll.u32 s2, $0x4;
	s1 =	sand.u32 $0xFFFFFF80, s9;
	v17 =	vld [tilespmem:s30+$0x300];
	s26 =	sshll.u32 s26, $0xA  }
0x47: {  	s0 =	sadd.s32 s0, s31;
	s1 =	sor.u32 s19, s1;
	v4 =	vadd.f32 v15, v4;
	v15 =	vld [tilespmem:s26+$0x1A480]  }
0x48: {  	s31 =	sand.u32 $0x7C00, s31;
	v18 =	vld [tilespmem:s1+$0xE000];
	s0 =	sor.u32 $0x380, s0  }
0x49: {  	s2 =	sor.u32 s19, s31;
	v19 =	vld [tilespmem:s0+$0x0]  }
0x4a: {  	v20 =	vld [tilespmem:s2+$0x0]  }
0x4b: {  	v21 =	vld [tilespmem:s2+$0x80]  }
0x4c: {  	v22 =	vld [tilespmem:s2+$0x100]  }
0x4d: {  	v13 =	vmul.f32 v13, v1;
	v23 =	vld [tilespmem:s2+$0x180]  }
0x4e: {  	v11 =	vmul.f32 v11, v1;
	v10 =	vmul.f32 v10, v1;
	v24 =	vld [tilespmem:s2+$0x200]  }
0x4f: {  	v6 =	vadd.f32 v13, v6;
	v25 =	vld [tilespmem:s2+$0x280];
	v12 =	vmul.f32 v12, v1  }
0x50: {  	v8 =	vadd.f32 v11, v8;
	v11 =	vld [tilespmem:s26+$0x1A400];
	v9 =	vadd.f32 v10, v9;
	v10 =	vmul.f32 v14, v1  }
0x51: {  	v13 =	vld [tilespmem:s2+$0x300];
	v5 =	vadd.f32 v12, v5;
	v12 =	vmul.f32 v16, v1;
	v14 =	vmul.f32 v20, v18  }
0x52: {  	p1 =	seq.s32 s24, $0x53;
	v1 =	vmul.f32 v17, v1;
	v16 =	vld [tilespmem:s26+$0x1A500];
	v7 =	vadd.f32 v10, v7;
	v10 =	vmul.f32 v21, v18  }
0x53: {  	s0 =	sadd.s32 @!p1 $0x2, s28;
	v3 =	vadd.f32 v12, v3;
	v12 =	vmul.f32 v22, v18;
	v6 =	vadd.f32 v14, v6;
	v14 =	vld [tilespmem:s26+$0x1A580]  }
0x54: {  	s1 =	smulhi.u32 @!p1 $0x92492493, s0;
	v1 =	vadd.f32 v1, v2;
	v2 =	vadd.f32 v10, v8;
	v8 =	vmul.f32 v23, v18;
	v10 =	vld [tilespmem:s26+$0x1A600]  }
0x55: {  	v9 =	vadd.f32 v12, v9;
	v12 =	vmul.f32 v24, v18;
	v6 =	vadd.f32 v11, v6;
	v11 =	vld [tilespmem:s26+$0x1A680]  }
0x56: {  	s1 =	sshrl.u32 @!p1 s1, $0x3;
	v5 =	vadd.f32 v8, v5;
	v8 =	vmul.f32 v25, v18;
	v2 =	vadd.f32 v15, v2;
	v15 =	vld [tilespmem:s26+$0x1A700]  }
0x57: {  	s2 =	smul.u32 @!p1 $0xFFFFFFF2, s1;
	v7 =	vadd.f32 v12, v7;
	v12 =	vmul.f32 v13, v18;
	[tilespmem:s26+$0x1A400] =	vst v6;
	v6 =	vadd.f32 v16, v9;
	v9 =	vld [tilespmem:s26+$0x1A780]  }
0x58: {  	s1 =	sadd.s32 @!p1 s7, s1;
	v13 =	vmul.f32 v19, v18;
	v3 =	vadd.f32 v8, v3;
	[tilespmem:s26+$0x1A480] =	vst v2;
	v2 =	vadd.f32 v14, v5  }
0x59: {  	s1 =	smul.u32 @!p1 $0x62000, s1;
	s0 =	sadd.s32 @!p1 s0, s2;
	v1 =	vadd.f32 v12, v1;
	v5 =	vadd.f32 v10, v7;
	[tilespmem:s26+$0x1A500] =	vst v6  }
0x5a: {  	s0 =	smul.u32 @!p1 $0x7000, s0;
	v4 =	vadd.f32 v13, v4;
	[tilespmem:s26+$0x1A580] =	vst v2;
	v2 =	vadd.f32 v11, v3  }
0x5b: {  	s1 =	sadd.s32 @!p1 s3, s1;
	[tilespmem:s26+$0x1A600] =	vst v5;
	v1 =	vadd.f32 v15, v1  }
0x5c: {  	s0 =	sadd.s32 @!p1 s0, s1;
	[tilespmem:s26+$0x1A680] =	vst v2;
	v2 =	vadd.f32 v9, v4  }
0x5d: {  	s0 =	sshrl.u32 @!p1 s0, $0x3;
	[tilespmem:s26+$0x1A700] =	vst v1  }
0x5e: {  	s9 =	simm.s32 $0x0;
	s1 =	simm.s32 @!p1 $0x0;
	s0 =	sadd.s32 @!p1 s4, s0;
	[tilespmem:s26+$0x1A780] =	vst v2  }
0x5f: {  	[tilespmem:s1], [sflag:$0x1] =	stream.linear.gather @!p1 [hbm4b:s0+s1], $0x7000, $0x38;
	[tilespmem:$0x1D480] =	vst v63  }
0x60: {  	s11 =	sand.u32 $0x70, s9;
	_ =	swait.ge [sflag:s17], $0x7000  }
0x61: {  	s19 =	sadd.s32 $0x0, s25;
	s0 =	sand.u32 $0x7C00, s9;
	[sflag:s17] =	ssyncset.done $0x0  }
0x62: {  	s2 =	sand.u32 $0xFFFFFF80, s19;
	s28 =	sor.u32 s11, s0;
	[sflag:s17] =	ssyncadd.s32 $0xFFFF9000  }
0x63: {  	s30 =	sor.u32 s11, s2;
	v2 =	vld [tilespmem:s28+$0x7380]  }
0x64: {  	v1 =	vld [tilespmem:s30+$0xE000]  }
0x65: {  	v4 =	vld [tilespmem:s28+$0x7000]  }
0x66: {  	v13 =	vld [tilespmem:s28+$0x7080]  }
0x67: {  	v8 =	vimm.f32 $0.0e+00;
	v12 =	vld [tilespmem:s28+$0x7100]  }
0x68: {  	s31 =	simm.s32 $0x10;
	v7 =	vimm.f32 $0.0e+00;
	v6 =	vimm.f32 $0.0e+00;
	v3 =	vimm.f32 $0.0e+00;
	v10 =	vld [tilespmem:s28+$0x7180]  }
0x69: {  	s19 =	sand.u32 $0x70, s31;
	v5 =	vimm.f32 $0.0e+00;
	v9 =	vimm.f32 $0.0e+00;
	s1 =	simm.s32 $0x80;
	v11 =	vld [tilespmem:s28+$0x7200];
	v15 =	vmul.f32 v2, v1  }
0x6a: {  	s2 =	sadd.s32 $0x10, s25;
	s29 =	sand.u32 $0x7C00, s1;
	s0 =	simm.s32 $0x20;
	v14 =	vld [tilespmem:s28+$0x7280];
	v16 =	vmul.f32 v4, v1;
	v4 =	vimm.f32 $0.0e+00;
	v2 =	vimm.f32 $0.0e+00  }
.LBB2_7:
0x6b: {  	p1 =	sne.s32 s0, $0xDF0;
	s2 =	sand.u32 $0xFFFFFF80, s2;
	v13 =	vmul.f32 v13, v1;
	v17 =	vld [tilespmem:s28+$0x7300];
	s28 =	sor.u32 s19, s29;
	v3 =	vadd.f32 v15, v3  }
0x6c: {  	s2 =	sor.u32 s19, s2;
	v15 =	vld [tilespmem:s28+$0x7380];
	v6 =	vadd.f32 v16, v6;
	v12 =	vmul.f32 v12, v1  }
0x6d: {  	v16 =	vld [tilespmem:s2+$0xE000];
	v8 =	vadd.f32 v13, v8;
	v10 =	vmul.f32 v10, v1  }
0x6e: {  	v18 =	vld [tilespmem:s28+$0x7000];
	v9 =	vadd.f32 v12, v9;
	v11 =	vmul.f32 v11, v1  }
.Ltmp4:
0x6f: {  	v13 =	vld [tilespmem:s28+$0x7080];
	v5 =	vadd.f32 v10, v5;
	v14 =	vmul.f32 v14, v1;
	(pc) =	sbr.rel @p1 .LBB2_7-.Ltmp4, $4  }
0x70: {  	v12 =	vld [tilespmem:s28+$0x7100];
	v7 =	vadd.f32 v11, v7;
	v17 =	vmul.f32 v17, v1  }
0x71: {  	v10 =	vld [tilespmem:s28+$0x7180];
	v4 =	vadd.f32 v14, v4  }
0x72: {  	s1 =	sadd.s32 $0x80, s1;
	s19 =	sand.u32 $0x70, s0;
	v11 =	vld [tilespmem:s28+$0x7200];
	v15 =	vmul.f32 v15, v16;
	v2 =	vadd.f32 v17, v2;
	v1 =	vmov v16  }
0x73: {  	s29 =	sand.u32 $0x7C00, s1;
	s2 =	sadd.s32 s0, s25;
	s0 =	sadd.s32 $0x10, s0;
	v16 =	vmul.f32 v18, v1;
	v14 =	vld [tilespmem:s28+$0x7280]  }
0x74: {  	v17 =	vld [tilespmem:s28+$0x7300]  }
0x75: {  	v45 =	vld [tilespmem:s26+$0x1A400]  }
0x76: {  	v48 =	vld [tilespmem:s26+$0x1A480]  }
0x77: {  	v50 =	vld [tilespmem:s26+$0x1A500]  }
0x78: {  	s0 =	sand.u32 $0xFFFFFF80, s2;
	s1 =	sor.u32 s19, s29;
	v52 =	vld [tilespmem:s26+$0x1A580]  }
0x79: {  	s0 =	sor.u32 s19, s0;
	v20 =	vld [tilespmem:s1+$0x7000]  }
0x7a: {  	v19 =	vld [tilespmem:s0+$0xE000]  }
0x7b: {  	v21 =	vld [tilespmem:s1+$0x7080]  }
0x7c: {  	v13 =	vmul.f32 v13, v1;
	v22 =	vld [tilespmem:s1+$0x7100];
	v12 =	vmul.f32 v12, v1  }
0x7d: {  	v3 =	vadd.f32 v15, v3;
	v23 =	vld [tilespmem:s1+$0x7180];
	v6 =	vadd.f32 v16, v6;
	v10 =	vmul.f32 v10, v1  }
0x7e: {  	v24 =	vld [tilespmem:s1+$0x7200];
	v8 =	vadd.f32 v13, v8;
	v9 =	vadd.f32 v12, v9;
	v11 =	vmul.f32 v11, v1  }
0x7f: {  	v25 =	vld [tilespmem:s1+$0x7280];
	v5 =	vadd.f32 v10, v5;
	v46 =	vmul.f32 v14, v1;
	v47 =	vmul.f32 v20, v19  }
0x80: {  	v44 =	vld [tilespmem:s1+$0x7300];
	v7 =	vadd.f32 v11, v7;
	v1 =	vmul.f32 v17, v1;
	v49 =	vmul.f32 v21, v19  }
0x81: {  	v18 =	vld [tilespmem:s1+$0x7380];
	v4 =	vadd.f32 v46, v4;
	v51 =	vmul.f32 v22, v19;
	v6 =	vadd.f32 v47, v6  }
0x82: {  	v54 =	vld [tilespmem:s26+$0x1A600];
	v1 =	vadd.f32 v1, v2;
	v53 =	vmul.f32 v23, v19;
	v2 =	vadd.f32 v49, v8  }
0x83: {  	v56 =	vld [tilespmem:s26+$0x1A680];
	v55 =	vmul.f32 v24, v19;
	v9 =	vadd.f32 v51, v9;
	v6 =	vadd.f32 v45, v6  }
0x84: {  	v58 =	vld [tilespmem:s26+$0x1A700];
	v57 =	vmul.f32 v25, v19;
	v5 =	vadd.f32 v53, v5;
	v2 =	vadd.f32 v48, v2  }
0x85: {  	v61 =	vld [tilespmem:s26+$0x1A780];
	v59 =	vmul.f32 v44, v19;
	v7 =	vadd.f32 v55, v7;
	v60 =	vadd.f32 v50, v9;
	[tilespmem:s26+$0x1A400] =	vst v6  }
0x86: {  	s24 =	sadd.s32 $0x1, s24;
	v62 =	vmul.f32 v18, v19;
	v4 =	vadd.f32 v57, v4;
	[tilespmem:s26+$0x1A480] =	vst v2;
	v2 =	vadd.f32 v52, v5  }
0x87: {  	p1 =	sne.s32 s24, $0x54;
	v1 =	vadd.f32 v59, v1;
	v63 =	vadd.f32 v54, v7;
	[tilespmem:s26+$0x1A500] =	vst v60  }
.Ltmp5:
0x88: {  	v3 =	vadd.f32 v62, v3;
	[tilespmem:s26+$0x1A580] =	vst v2;
	v2 =	vadd.f32 v56, v4;
	(pc) =	sbr.rel @p1 .LBB2_4-.Ltmp5, $4  }
0x89: {  	v1 =	vadd.f32 v58, v1;
	[tilespmem:s26+$0x1A600] =	vst v63  }
0x8a: {  	[tilespmem:s26+$0x1A680] =	vst v2;
	v2 =	vadd.f32 v61, v3  }
0x8b: {  	[tilespmem:s26+$0x1A700] =	vst v1  }
0x8c: {  	s23 =	sadd.s32 $0x1C00, s23;
	s22 =	sadd.s32 $0x1C00, s22;
	[tilespmem:s26+$0x1A780] =	vst v2  }
.Ltmp6:
0x8d: {  	s0 =	simm.s32 $0x0;
	(pc) =	sbr.rel @p0 .LBB2_13-.Ltmp6, $4  }
0x8e: {  	[hbm4b:s8+s0] =	stream.linear.scatter [tilespmem:s18], [sflag:$0x3], $0x3000, $0x38;
	[tilespmem:$0x1D480] =	vst v63  }
0x8f: {  	_ =	swait.ge [sflag:s14], $0x3000  }
0x90: {  	[sflag:s14] =	ssyncset.done $0x0  }
0x91: {  	[sflag:s14] =	ssyncadd.s32 $0xFFFFD000  }
0x92: {  	s1 =	simm.s32 $0x0  }
0x93: {  	v1 =	vimm.f32 $0.0e+00;
	s0 =	simm.s32 $0x40;
	v2 =	vld [tilespmem:s1+$0xE000]  }
.LBB2_11:
0x94: {  	p1 =	sne.s32 s0, $0x30FC0  }
.Ltmp7:
0x95: {  	_ = 	snop;
	(pc) =	sbr.rel @p1 .LBB2_11-.Ltmp7, $3  }
0x96: {  	_ =	sdelay $0x1  }
0x97: {  	s1 =	sshra.s32 s0, $0x2;
	s0 =	sadd.s32 $0x40, s0;
	v1 =	vadd.f32 v2, v1  }
0x98: {  	v2 =	vld [tilespmem:s1+$0xE000]  }
0x99: {  	_ =	sdelay $0x3  }
0x9a: {  	v1 =	vadd.f32 v2, v1  }
0x9b: {  	s0 =	simm.s32 $0x0  }
.Ltmp8:
0x9c: {  	s1 =	rddreg [dreg:$0x3];
	s2 =	simm.s32 $0x1D400;
	[tilespmem:$0x1D400] =	vst v1;
	(pc) =	sbr.rel .LBB2_13-.Ltmp8, $4  }
0x9d: {  	[hbm4b:s1+s0] =	stream.linear.scatter [tilespmem:s2], [sflag:$0x3], $0x80, $0x38;
	[tilespmem:$0x1D480] =	vst v63  }
0x9e: {  	_ =	swait.ge [sflag:s14], $0x80  }
0x9f: {  	[sflag:s14] =	ssyncset.done $0x0  }
0xa0: {  	[sflag:s14] =	ssyncadd.s32 $0xFFFFFF80  }
.LBB2_14:
0xa1: {  	_ =	sfence.sel $0x180000  }
0xa2: {  	[bflag:$0x0] =	sbarrier.arrive $0xFFFF  }
0xa3: {  	_ =	strace $0x90000047  }
0xa4: {  	s0 =	stileid.u32;
	[bflag:$0x2] =	sbarrier.arrive $0xFFFF  }
0xa5: {  	p0 =	sne.s32 s0, $0x0;
	s0 =	rddreg [dreg:$0x2]  }
0xa6: {  	s0 =	sadd.s32 @!p0 $0x100000, s0  }
0xa7: {  	[sflag:s0] =	ssyncadd.tile.s32 @!p0 $0x1;
	_ =	shalt  }
.Lfunc_end2:
_tile_overlayer_lowered:
.L_overlay_start_2:
0xa8: {  	(tag) =	ssettag $0x2  }
0xa9: {  	s0 =	rddreg [dreg:$0x0];
	s2 =	stileid.u32  }
0xaa: {  	s1 =	rddreg [dreg:$0x1];
	p0 =	sne.s32 s2, $0x0  }
0xab: {  	s3 =	rddreg [dreg:$0x2];
	[bflag:$0x3] =	sbarrier.arrive $0xFFFF;
	s2 =	simm.s32 @!p0 $0x1C03  }
0xac: {  	[timem:s3], [sflag:s2] =	dma.local @!p0 [hbm:s0], s1  }
0xad: {  	s0 =	simm.s32 @!p0 $0x3  }
0xae: {  	_ =	swait.ge @!p0 [sflag:s0], s1  }
0xaf: {  	s1 =	ssub.s32 @!p0 $0x0, s1;
	[sflag:s0] =	ssyncset.done @!p0 $0x0  }
0xb0: {  	[sflag:s0] =	ssyncadd.s32 @!p0 s1  }
0xb1: {  	[bflag:$0x3] =	sbarrier.arrive $0xFFFF  }
0xb2: {  	_ =	shalt  }

</sc_bundles>
